<compile_context>
chip_gen: v7x
topology: tpu7x:2x2x1
jax: 0.10.2.dev20260603
libtpu: 0.0.44.dev20260713+nightly
codegen_flags: <defaults>
</compile_context>

<pallas_src>
import functools

import jax
import jax.numpy as jnp
from jax import lax
from jax.experimental import pallas as pl
from jax.experimental.pallas import tpu as pltpu
from jax.experimental.pallas import tpu_sc as plsc

NC = 2
NS = 16
NW = NC * NS
CHUNK = 64
PACK = 14


def _sc_segment_sum(data, packed, n_pad, nch0, nch1):
    nch = nch0
    d = data.shape[1]
    stripe = n_pad // NS
    mesh = plsc.VectorSubcoreMesh(core_axis_name="c", subcore_axis_name="s")

    @functools.partial(
        pl.kernel,
        mesh=mesh,
        compiler_params=pltpu.CompilerParams(needs_layout_passes=False),
        out_type=[
            jax.ShapeDtypeStruct((NC, n_pad, d), jnp.float32),
            jax.ShapeDtypeStruct((NW, n_pad), jnp.float32),
        ],
        scratch_types=[
            pltpu.VMEM(((nch + 1) * CHUNK,), jnp.int32),
            pltpu.VMEM((2, CHUNK), jnp.int32),
            pltpu.VMEM((2, CHUNK), jnp.int32),
            pltpu.VMEM((2, CHUNK, d), jnp.float32),
            pltpu.VMEM((n_pad,), jnp.float32),
            pltpu.VMEM_SHARED((n_pad, d), jnp.float32),
            pltpu.SemaphoreType.DMA,
        ],
    )
    def k(data_h, pk_h, acc_o, cnt_o,
          pk_v, sidx_v, didx_v, rows_v, hist_v, acc_s, sem):
        c = lax.axis_index("c")
        s = lax.axis_index("s")
        wid = c * NS + s
        row0 = s * stripe

        zeros16 = jnp.zeros((16,), jnp.float32)

        def zhist(i, carry):
            hist_v[pl.ds(i * 16, 16)] = zeros16
            return carry

        lax.fori_loop(0, n_pad // 16, zhist, 0)

        def zrows(i, carry):
            for j in range(d // 16):
                rows_v[0, i, pl.ds(j * 16, 16)] = zeros16
            return carry

        lax.fori_loop(0, CHUNK, zrows, 0)

        nblk = n_pad // CHUNK

        def zacc(r, carry):
            bi = s + r * NS

            @pl.when(bi < nblk)
            def _():
                pltpu.sync_copy(rows_v.at[0],
                                acc_s.at[pl.ds(bi * CHUNK, CHUNK)])

            return carry

        lax.fori_loop(0, -(-nblk // NS), zacc, 0)
        pltpu.sync_copy(pk_h.at[wid], pk_v.at[pl.ds(0, nch * CHUNK)])
        dummy = jnp.full((16,), n_pad - 8, jnp.int32)
        for j in range(CHUNK // 16):
            pk_v[pl.ds(nch * CHUNK + j * 16, 16)] = dummy
        plsc.subcore_barrier()

        mask = jnp.int32((1 << PACK) - 1)
        ones16 = jnp.ones((16,), jnp.float32)

        def unpack(ci, sl):
            base = ci * CHUNK
            for j in range(CHUNK // 16):
                p = pk_v[pl.ds(base + j * 16, 16)]
                dstv = lax.bitwise_and(p, mask)
                sidx_v[sl, pl.ds(j * 16, 16)] = lax.shift_right_logical(p, PACK)
                didx_v[sl, pl.ds(j * 16, 16)] = dstv
                plsc.addupdate_scatter(hist_v, [dstv], ones16)

        def pair(kk, carry):
            c0 = 2 * kk
            descs = []
            for b in range(2):
                unpack(c0 + b, b)
                descs.append(pltpu.async_copy(data_h.at[sidx_v.at[b]],
                                              rows_v.at[b], sem))
            for b in range(2):
                descs[b].wait()
                pltpu.sync_copy(rows_v.at[b], acc_s.at[didx_v.at[b]], add=True)
            return carry

        npair = lax.select(c == 0, jnp.int32(nch0 // 2), jnp.int32(nch1 // 2))
        lax.fori_loop(0, npair, pair, 0)
        plsc.subcore_barrier()

        pltpu.sync_copy(acc_s.at[pl.ds(row0, stripe)],
                        acc_o.at[c, pl.ds(row0, stripe)])
        pltpu.sync_copy(hist_v, cnt_o.at[wid])

    return k(data, packed)


def _tc_combine(data, merge, acc, cnt, w_lin, w_tr, b_tr):
    n, d = data.shape
    blk = 2048
    grid = -(-n // blk)
    bt2 = b_tr.reshape(1, d)
    onesw = jnp.ones((NW, 1), jnp.float32)

    def body(d_r, m_r, a_r, c_r, wl_r, wt_r, bt_r, ow_r, o_r):
        a = a_r[0, :, :] + a_r[1, :, :]
        deg = lax.dot_general(c_r[...], ow_r[...], (((0,), (0,)), ((), ())),
                              preferred_element_type=jnp.float32)
        factor = 1.0 / jnp.maximum(deg, 1.0)
        ind = (deg > 0.0).astype(jnp.float32)
        z = d_r[...] * ind - a * factor
        r = lax.dot_general(z, wl_r[...], (((1,), (1,)), ((), ())),
                            preferred_element_type=jnp.float32)
        r = r + lax.dot_general(m_r[...], wt_r[...], (((1,), (1,)), ((), ())),
                                preferred_element_type=jnp.float32)
        o_r[...] = jnp.maximum(r + bt_r[...], 0.0)

    return pl.pallas_call(
        body,
        grid=(grid,),
        in_specs=[
            pl.BlockSpec((blk, d), lambda i: (i, 0)),
            pl.BlockSpec((blk, d), lambda i: (i, 0)),
            pl.BlockSpec((NC, blk, d), lambda i: (0, i, 0)),
            pl.BlockSpec((NW, blk), lambda i: (0, i)),
            pl.BlockSpec((d, d), lambda i: (0, 0)),
            pl.BlockSpec((d, d), lambda i: (0, 0)),
            pl.BlockSpec((1, d), lambda i: (0, 0)),
            pl.BlockSpec((NW, 1), lambda i: (0, 0)),
        ],
        out_specs=pl.BlockSpec((blk, d), lambda i: (i, 0)),
        out_shape=jax.ShapeDtypeStruct((n, d), jnp.float32),
    )(data, merge, acc, cnt, w_lin, w_tr, bt2, onesw)


def kernel(data, merge, structure, W_lin, b_lin, W_tr, b_tr):
    n, d = data.shape
    e = structure.shape[1]

    FRAC0 = 0.623
    total_chunks = -(-e // CHUNK)
    nch0 = 2 * (-(-int(total_chunks * FRAC0) // (NS * 2)))
    rem = max(total_chunks - NS * nch0, 0)
    nch1 = 2 * (-(-rem // (NS * 2)))
    e0 = NS * nch0 * CHUNK
    e1 = NS * nch1 * CHUNK
    pad = e0 + e1 - e
    n_pad = NS * 8 * (-(-(n + 1) // (NS * 8)))

    src = structure[0]
    dst = structure[1]
    pad_dst = n + jnp.arange(pad, dtype=jnp.int32) % (n_pad - n)
    flat = jnp.concatenate([lax.shift_left(src, PACK) | dst, pad_dst])
    rows0 = flat[:e0].reshape(NS, nch0 * CHUNK)
    rows1 = jnp.pad(flat[e0:].reshape(NS, nch1 * CHUNK),
                    ((0, 0), (0, (nch0 - nch1) * CHUNK)))
    packed = jnp.concatenate([rows0, rows1])

    acc, cnt = _sc_segment_sum(data, packed, n_pad, nch0, nch1)
    return _tc_combine(data, merge, acc, cnt, W_lin, W_tr, b_tr)

# --- scband reference (transcript-rebuilt; emitter-appended) ---
"""Pipeline reference for scband-conv-skip-41360535061062 (READ-ONLY COPY).

The authoritative reference and input builder live on the scoring server;
editing this copy changes nothing except your own understanding.
"""

import jax, jax.numpy as jnp
import numpy as np

N = 10000
E = 320000
D = 128

def setup_inputs(seed: int = 0) -> dict:
    key = jax.random.key(seed)
    ks = jax.random.split(key, 8)
    data = jax.random.normal(ks[0], (N, D), dtype=jnp.float32)
    merge = jax.random.normal(ks[1], (N, D), dtype=jnp.float32)
    structure = jax.random.randint(ks[2], (2, E), 0, N, dtype=jnp.int32)
    s = 1.0 / np.sqrt(D)
    W_lin = jax.random.uniform(ks[3], (D, D), jnp.float32, -s, s)
    b_lin = jax.random.uniform(ks[4], (D,), jnp.float32, -s, s)
    W_tr = jax.random.uniform(ks[5], (D, D), jnp.float32, -s, s)
    b_tr = jax.random.uniform(ks[6], (D,), jnp.float32, -s, s)
    return {"data": data, "merge": merge, "structure": structure,
            "W_lin": W_lin, "b_lin": b_lin, "W_tr": W_tr, "b_tr": b_tr}

def reference(data, merge, structure, W_lin, b_lin, W_tr, b_tr):
    n = data.shape[0]
    out = data @ W_lin.T + b_lin
    src = structure[0]
    dst = structure[1]
    # normalized Laplacian action: sum_j (x_i - x_j) / deg(i) scattered to node i
    counts = jnp.bincount(dst, length=n)
    factor = 1.0 / jnp.maximum(counts, 1).astype(jnp.float32)
    own = jnp.take(out, dst, axis=0)
    msg = jnp.take(out, src, axis=0)
    contrib = (own - msg) * factor[dst][:, None]
    lap = jax.ops.segment_sum(contrib, dst, num_segments=n)
    skip = merge @ W_tr.T + b_tr
    return jax.nn.relu(lap + skip)

if __name__ == "__main__":
    import jax
    _d = setup_inputs()
    print(jax.jit(kernel)(*tuple(_d.values())))

</pallas_src>

<mosaic_0001>
#map = affine_map<(d0, d1) -> (0, 0)>
#map1 = affine_map<(d0, d1) -> (0, 0, 0)>
module attributes {stable_mosaic.version = 14 : i64} {
  func.func @k(%arg0: i32, %arg1: i32, %arg2: memref<10000x128xf32, #tpu.memory_space<hbm>>, %arg3: memref<32x12544xi32, #tpu.memory_space<hbm>>, %arg4: memref<2x10112x128xf32, #tpu.memory_space<hbm>>, %arg5: memref<32x10112xf32, #tpu.memory_space<hbm>>, %arg6: memref<12608xi32, #tpu.memory_space<vmem>>, %arg7: memref<2x64xi32, #tpu.memory_space<vmem>>, %arg8: memref<2x64xi32, #tpu.memory_space<vmem>>, %arg9: memref<2x64x128xf32, #tpu.memory_space<vmem>>, %arg10: memref<10112xf32, #tpu.memory_space<vmem>>, %arg11: memref<10112x128xf32, #tpu.memory_space<vmem_shared>>, %arg12: memref<!tpu.dma_semaphore, #tpu.memory_space<semaphore_mem>>) attributes {dimension_semantics = [#tpu.dimension_semantics<core_parallel>, #tpu.dimension_semantics<subcore_parallel>], iteration_bounds = array<i64: 2, 16>, scalar_prefetch = 0 : i64, scratch_operands = 7 : i64, tpu.core_type = #tpu.core_type<sc_vector_subcore>, window_params = [{transform_indices = #map}, {transform_indices = #map}, {transform_indices = #map1}, {transform_indices = #map}]} {
    %mul3A = arith.constant 16 : i32
    %mul3A_0 = arith.muli %arg0, %mul3A : i32
    %add3A = arith.addi %mul3A_0, %arg1 : i32
    %mul3A_1 = arith.constant 632 : i32
    %mul3A_2 = arith.muli %arg1, %mul3A_1 : i32
    %broadcast_in_dim3A = arith.constant 0.000000e+00 : f32
    %broadcast_in_dim3A_3 = vector.broadcast %broadcast_in_dim3A : f32 to vector<16xf32>
    %scan3A = arith.constant 0 : i32
    %scan3A_4 = arith.constant 0 : i32
    %scan3A_5 = arith.constant 632 : i32
    %scan3A_6 = arith.addi %scan3A_4, %scan3A_5 : i32
    %scan3A_7 = arith.constant 1 : i32
    scf.for %scan3A_46 = %scan3A_4 to %scan3A_6 step %scan3A_7  : i32 {
      %mul3A_47 = arith.constant 16 : i32
      %mul3A_48 = arith.muli %scan3A_46, %mul3A_47 : i32
      %swap3A_49 = arith.index_cast %mul3A_48 : i32 to index
      %swap3A_50 = tpu.vector_load %arg10[%swap3A_49] {strides = array<i32>} : memref<10112xf32, #tpu.memory_space<vmem>>, vector<16xf32>,
      tpu.vector_store %arg10[%swap3A_49], %broadcast_in_dim3A_3 {strides = array<i32>} : memref<10112xf32, #tpu.memory_space<vmem>>, vector<16xf32>,
    }
    %scan3A_8 = arith.constant 632 : i32
    %scan3A_9 = arith.constant 0 : i32
    %scan3A_10 = arith.constant 0 : i32
    %scan3A_11 = arith.constant 64 : i32
    %scan3A_12 = arith.addi %scan3A_10, %scan3A_11 : i32
    %scan3A_13 = arith.constant 1 : i32
    scf.for %scan3A_46 = %scan3A_10 to %scan3A_12 step %scan3A_13  : i32 {
      %swap3A_47 = arith.constant 0 : i32
      %swap3A_48 = arith.index_cast %swap3A_47 : i32 to index
      %swap3A_49 = arith.index_cast %scan3A_46 : i32 to index
      %swap3A_50 = arith.constant 0 : index
      %swap3A_51 = tpu.vector_load %arg9[%swap3A_48, %swap3A_49, %swap3A_50] {strides = array<i32>} : memref<2x64x128xf32, #tpu.memory_space<vmem>>, vector<16xf32>,
      tpu.vector_store %arg9[%swap3A_48, %swap3A_49, %swap3A_50], %broadcast_in_dim3A_3 {strides = array<i32>} : memref<2x64x128xf32, #tpu.memory_space<vmem>>, vector<16xf32>,
      %swap3A_52 = arith.constant 0 : i32
      %swap3A_53 = arith.index_cast %swap3A_52 : i32 to index
      %swap3A_54 = arith.index_cast %scan3A_46 : i32 to index
      %swap3A_55 = arith.constant 16 : index
      %swap3A_56 = tpu.vector_load %arg9[%swap3A_53, %swap3A_54, %swap3A_55] {strides = array<i32>} : memref<2x64x128xf32, #tpu.memory_space<vmem>>, vector<16xf32>,
      tpu.vector_store %arg9[%swap3A_53, %swap3A_54, %swap3A_55], %broadcast_in_dim3A_3 {strides = array<i32>} : memref<2x64x128xf32, #tpu.memory_space<vmem>>, vector<16xf32>,
      %swap3A_57 = arith.constant 0 : i32
      %swap3A_58 = arith.index_cast %swap3A_57 : i32 to index
      %swap3A_59 = arith.index_cast %scan3A_46 : i32 to index
      %swap3A_60 = arith.constant 32 : index
      %swap3A_61 = tpu.vector_load %arg9[%swap3A_58, %swap3A_59, %swap3A_60] {strides = array<i32>} : memref<2x64x128xf32, #tpu.memory_space<vmem>>, vector<16xf32>,
      tpu.vector_store %arg9[%swap3A_58, %swap3A_59, %swap3A_60], %broadcast_in_dim3A_3 {strides = array<i32>} : memref<2x64x128xf32, #tpu.memory_space<vmem>>, vector<16xf32>,
      %swap3A_62 = arith.constant 0 : i32
      %swap3A_63 = arith.index_cast %swap3A_62 : i32 to index
      %swap3A_64 = arith.index_cast %scan3A_46 : i32 to index
      %swap3A_65 = arith.constant 48 : index
      %swap3A_66 = tpu.vector_load %arg9[%swap3A_63, %swap3A_64, %swap3A_65] {strides = array<i32>} : memref<2x64x128xf32, #tpu.memory_space<vmem>>, vector<16xf32>,
      tpu.vector_store %arg9[%swap3A_63, %swap3A_64, %swap3A_65], %broadcast_in_dim3A_3 {strides = array<i32>} : memref<2x64x128xf32, #tpu.memory_space<vmem>>, vector<16xf32>,
      %swap3A_67 = arith.constant 0 : i32
      %swap3A_68 = arith.index_cast %swap3A_67 : i32 to index
      %swap3A_69 = arith.index_cast %scan3A_46 : i32 to index
      %swap3A_70 = arith.constant 64 : index
      %swap3A_71 = tpu.vector_load %arg9[%swap3A_68, %swap3A_69, %swap3A_70] {strides = array<i32>} : memref<2x64x128xf32, #tpu.memory_space<vmem>>, vector<16xf32>,
      tpu.vector_store %arg9[%swap3A_68, %swap3A_69, %swap3A_70], %broadcast_in_dim3A_3 {strides = array<i32>} : memref<2x64x128xf32, #tpu.memory_space<vmem>>, vector<16xf32>,
      %swap3A_72 = arith.constant 0 : i32
      %swap3A_73 = arith.index_cast %swap3A_72 : i32 to index
      %swap3A_74 = arith.index_cast %scan3A_46 : i32 to index
      %swap3A_75 = arith.constant 80 : index
      %swap3A_76 = tpu.vector_load %arg9[%swap3A_73, %swap3A_74, %swap3A_75] {strides = array<i32>} : memref<2x64x128xf32, #tpu.memory_space<vmem>>, vector<16xf32>,
      tpu.vector_store %arg9[%swap3A_73, %swap3A_74, %swap3A_75], %broadcast_in_dim3A_3 {strides = array<i32>} : memref<2x64x128xf32, #tpu.memory_space<vmem>>, vector<16xf32>,
      %swap3A_77 = arith.constant 0 : i32
      %swap3A_78 = arith.index_cast %swap3A_77 : i32 to index
      %swap3A_79 = arith.index_cast %scan3A_46 : i32 to index
      %swap3A_80 = arith.constant 96 : index
      %swap3A_81 = tpu.vector_load %arg9[%swap3A_78, %swap3A_79, %swap3A_80] {strides = array<i32>} : memref<2x64x128xf32, #tpu.memory_space<vmem>>, vector<16xf32>,
      tpu.vector_store %arg9[%swap3A_78, %swap3A_79, %swap3A_80], %broadcast_in_dim3A_3 {strides = array<i32>} : memref<2x64x128xf32, #tpu.memory_space<vmem>>, vector<16xf32>,
      %swap3A_82 = arith.constant 0 : i32
      %swap3A_83 = arith.index_cast %swap3A_82 : i32 to index
      %swap3A_84 = arith.index_cast %scan3A_46 : i32 to index
      %swap3A_85 = arith.constant 112 : index
      %swap3A_86 = tpu.vector_load %arg9[%swap3A_83, %swap3A_84, %swap3A_85] {strides = array<i32>} : memref<2x64x128xf32, #tpu.memory_space<vmem>>, vector<16xf32>,
      tpu.vector_store %arg9[%swap3A_83, %swap3A_84, %swap3A_85], %broadcast_in_dim3A_3 {strides = array<i32>} : memref<2x64x128xf32, #tpu.memory_space<vmem>>, vector<16xf32>,
    }
    %scan3A_14 = arith.constant 64 : i32
    %scan3A_15 = arith.constant 0 : i32
    %scan3A_16 = arith.constant 0 : i32
    %scan3A_17 = arith.constant 10 : i32
    %scan3A_18 = arith.addi %scan3A_16, %scan3A_17 : i32
    %scan3A_19 = arith.constant 1 : i32
    scf.for %scan3A_46 = %scan3A_16 to %scan3A_18 step %scan3A_19  : i32 {
      %mul3A_47 = arith.constant 16 : i32
      %mul3A_48 = arith.muli %scan3A_46, %mul3A_47 : i32
      %add3A_49 = arith.addi %arg1, %mul3A_48 : i32
      %lt3A = arith.constant 158 : i32
      %lt3A_50 = arith.cmpi slt, %add3A_49, %lt3A : i32
      %convert_element_type3A = arith.extui %lt3A_50 : i1 to i32
      %cond3A = arith.constant 0 : i32
      %cond3A_51 = arith.cmpi ne, %convert_element_type3A, %cond3A : i32
      scf.if %cond3A_51 {
        %mul3A_52 = arith.constant 64 : i32
        %mul3A_53 = arith.muli %add3A_49, %mul3A_52 : i32
        %run_scoped3A = arith.constant 0 : i32
        "tpu.region"() ({
          %run_scoped3A_54 = tpu.sem_alloc : memref<!tpu.dma_semaphore, #tpu.memory_space<semaphore_mem>>
          %dma_start3A = arith.constant 0 : i32
          %dma_start3A_55 = arith.constant 0 : i32
          %dma_start3A_56 = tpu.memref_slice %arg9[%run_scoped3A, %dma_start3A, %dma_start3A_55] : memref<2x64x128xf32, #tpu.memory_space<vmem>> -> memref<1x64x128xf32, #tpu.memory_space<vmem>>
          %dma_start3A_57 = tpu.memref_squeeze %dma_start3A_56 : memref<1x64x128xf32, #tpu.memory_space<vmem>> -> memref<64x128xf32, #tpu.memory_space<vmem>>
          %dma_start3A_58 = arith.constant 0 : i32
          %dma_start3A_59 = tpu.memref_slice %arg11[%mul3A_53, %dma_start3A_58] : memref<10112x128xf32, #tpu.memory_space<vmem_shared>> -> memref<64x128xf32, #tpu.memory_space<vmem_shared>>
          %dma_start3A_60 = arith.constant 0 : i32
          %dma_start3A_61 = tpu.memref_slice %arg11[%mul3A_53, %dma_start3A_60] : memref<10112x128xf32, #tpu.memory_space<vmem_shared>> -> memref<64x128xf32, #tpu.memory_space<vmem_shared>>
          %dma_start3A_62 = arith.constant 0 : i32
          %dma_start3A_63 = arith.constant 0 : i32
          %dma_start3A_64 = tpu.memref_slice %arg9[%run_scoped3A, %dma_start3A_62, %dma_start3A_63] : memref<2x64x128xf32, #tpu.memory_space<vmem>> -> memref<1x64x128xf32, #tpu.memory_space<vmem>>
          %dma_start3A_65 = tpu.memref_squeeze %dma_start3A_64 : memref<1x64x128xf32, #tpu.memory_space<vmem>> -> memref<64x128xf32, #tpu.memory_space<vmem>>
          tpu.enqueue_dma source(%dma_start3A_65 : memref<64x128xf32, #tpu.memory_space<vmem>>) target(%dma_start3A_61 : memref<64x128xf32, #tpu.memory_space<vmem_shared>>) target_semaphore(%run_scoped3A_54 : memref<!tpu.dma_semaphore, #tpu.memory_space<semaphore_mem>>)
          %dma_wait3A = arith.constant 0 : i32
          %dma_wait3A_66 = arith.constant 0 : i32
          %dma_wait3A_67 = tpu.memref_slice %arg9[%run_scoped3A, %dma_wait3A, %dma_wait3A_66] : memref<2x64x128xf32, #tpu.memory_space<vmem>> -> memref<1x64x128xf32, #tpu.memory_space<vmem>>
          %dma_wait3A_68 = tpu.memref_squeeze %dma_wait3A_67 : memref<1x64x128xf32, #tpu.memory_space<vmem>> -> memref<64x128xf32, #tpu.memory_space<vmem>>
          %dma_wait3A_69 = arith.constant 0 : i32
          %dma_wait3A_70 = tpu.memref_slice %arg11[%mul3A_53, %dma_wait3A_69] : memref<10112x128xf32, #tpu.memory_space<vmem_shared>> -> memref<64x128xf32, #tpu.memory_space<vmem_shared>>
          %dma_wait3A_71 = arith.constant 0 : i32
          %dma_wait3A_72 = tpu.memref_slice %arg11[%mul3A_53, %dma_wait3A_71] : memref<10112x128xf32, #tpu.memory_space<vmem_shared>> -> memref<64x128xf32, #tpu.memory_space<vmem_shared>>
          %dma_wait3A_73 = arith.constant 0 : i32
          %dma_wait3A_74 = arith.constant 0 : i32
          %dma_wait3A_75 = tpu.memref_slice %arg9[%run_scoped3A, %dma_wait3A_73, %dma_wait3A_74] : memref<2x64x128xf32, #tpu.memory_space<vmem>> -> memref<1x64x128xf32, #tpu.memory_space<vmem>>
          %dma_wait3A_76 = tpu.memref_squeeze %dma_wait3A_75 : memref<1x64x128xf32, #tpu.memory_space<vmem>> -> memref<64x128xf32, #tpu.memory_space<vmem>>
          tpu.wait_dma2 semaphore(%run_scoped3A_54 : memref<!tpu.dma_semaphore, #tpu.memory_space<semaphore_mem>>) src(%dma_wait3A_76 : memref<64x128xf32, #tpu.memory_space<vmem>>) dst(%dma_wait3A_72 : memref<64x128xf32, #tpu.memory_space<vmem_shared>>)
          tpu.yield
        }) : () -> ()
      } else {
      }
    }
    %scan3A_20 = arith.constant 10 : i32
    "tpu.region"() ({
      %run_scoped3A = tpu.sem_alloc : memref<!tpu.dma_semaphore, #tpu.memory_space<semaphore_mem>>
      %dma_start3A = arith.constant 0 : i32
      %dma_start3A_46 = tpu.memref_slice %arg6[%dma_start3A] : memref<12608xi32, #tpu.memory_space<vmem>> -> memref<12544xi32, #tpu.memory_space<vmem>>
      %dma_start3A_47 = arith.constant 0 : i32
      %dma_start3A_48 = tpu.memref_slice %arg3[%add3A, %dma_start3A_47] : memref<32x12544xi32, #tpu.memory_space<hbm>> -> memref<1x12544xi32, #tpu.memory_space<hbm>>
      %dma_start3A_49 = tpu.memref_squeeze %dma_start3A_48 : memref<1x12544xi32, #tpu.memory_space<hbm>> -> memref<12544xi32, #tpu.memory_space<hbm>>
      %dma_start3A_50 = arith.constant 0 : i32
      %dma_start3A_51 = tpu.memref_slice %arg6[%dma_start3A_50] : memref<12608xi32, #tpu.memory_space<vmem>> -> memref<12544xi32, #tpu.memory_space<vmem>>
      %dma_start3A_52 = arith.constant 0 : i32
      %dma_start3A_53 = tpu.memref_slice %arg3[%add3A, %dma_start3A_52] : memref<32x12544xi32, #tpu.memory_space<hbm>> -> memref<1x12544xi32, #tpu.memory_space<hbm>>
      %dma_start3A_54 = tpu.memref_squeeze %dma_start3A_53 : memref<1x12544xi32, #tpu.memory_space<hbm>> -> memref<12544xi32, #tpu.memory_space<hbm>>
      tpu.enqueue_dma source(%dma_start3A_54 : memref<12544xi32, #tpu.memory_space<hbm>>) target(%dma_start3A_51 : memref<12544xi32, #tpu.memory_space<vmem>>) target_semaphore(%run_scoped3A : memref<!tpu.dma_semaphore, #tpu.memory_space<semaphore_mem>>)
      %dma_wait3A = arith.constant 0 : i32
      %dma_wait3A_55 = tpu.memref_slice %arg6[%dma_wait3A] : memref<12608xi32, #tpu.memory_space<vmem>> -> memref<12544xi32, #tpu.memory_space<vmem>>
      %dma_wait3A_56 = arith.constant 0 : i32
      %dma_wait3A_57 = tpu.memref_slice %arg3[%add3A, %dma_wait3A_56] : memref<32x12544xi32, #tpu.memory_space<hbm>> -> memref<1x12544xi32, #tpu.memory_space<hbm>>
      %dma_wait3A_58 = tpu.memref_squeeze %dma_wait3A_57 : memref<1x12544xi32, #tpu.memory_space<hbm>> -> memref<12544xi32, #tpu.memory_space<hbm>>
      %dma_wait3A_59 = arith.constant 0 : i32
      %dma_wait3A_60 = tpu.memref_slice %arg6[%dma_wait3A_59] : memref<12608xi32, #tpu.memory_space<vmem>> -> memref<12544xi32, #tpu.memory_space<vmem>>
      %dma_wait3A_61 = arith.constant 0 : i32
      %dma_wait3A_62 = tpu.memref_slice %arg3[%add3A, %dma_wait3A_61] : memref<32x12544xi32, #tpu.memory_space<hbm>> -> memref<1x12544xi32, #tpu.memory_space<hbm>>
      %dma_wait3A_63 = tpu.memref_squeeze %dma_wait3A_62 : memref<1x12544xi32, #tpu.memory_space<hbm>> -> memref<12544xi32, #tpu.memory_space<hbm>>
      tpu.wait_dma2 semaphore(%run_scoped3A : memref<!tpu.dma_semaphore, #tpu.memory_space<semaphore_mem>>) src(%dma_wait3A_63 : memref<12544xi32, #tpu.memory_space<hbm>>) dst(%dma_wait3A_60 : memref<12544xi32, #tpu.memory_space<vmem>>)
      tpu.yield
    }) : () -> ()
    %broadcast_in_dim3A_21 = arith.constant 10104 : i32
    %broadcast_in_dim3A_22 = vector.broadcast %broadcast_in_dim3A_21 : i32 to vector<16xi32>
    %swap3A = arith.constant 12544 : index
    %swap3A_23 = tpu.vector_load %arg6[%swap3A] {strides = array<i32>} : memref<12608xi32, #tpu.memory_space<vmem>>, vector<16xi32>,
    tpu.vector_store %arg6[%swap3A], %broadcast_in_dim3A_22 {strides = array<i32>} : memref<12608xi32, #tpu.memory_space<vmem>>, vector<16xi32>,
    %swap3A_24 = arith.constant 12560 : index
    %swap3A_25 = tpu.vector_load %arg6[%swap3A_24] {strides = array<i32>} : memref<12608xi32, #tpu.memory_space<vmem>>, vector<16xi32>,
    tpu.vector_store %arg6[%swap3A_24], %broadcast_in_dim3A_22 {strides = array<i32>} : memref<12608xi32, #tpu.memory_space<vmem>>, vector<16xi32>,
    %swap3A_26 = arith.constant 12576 : index
    %swap3A_27 = tpu.vector_load %arg6[%swap3A_26] {strides = array<i32>} : memref<12608xi32, #tpu.memory_space<vmem>>, vector<16xi32>,
    tpu.vector_store %arg6[%swap3A_26], %broadcast_in_dim3A_22 {strides = array<i32>} : memref<12608xi32, #tpu.memory_space<vmem>>, vector<16xi32>,
    %swap3A_28 = arith.constant 12592 : index
    %swap3A_29 = tpu.vector_load %arg6[%swap3A_28] {strides = array<i32>} : memref<12608xi32, #tpu.memory_space<vmem>>, vector<16xi32>,
    tpu.vector_store %arg6[%swap3A_28], %broadcast_in_dim3A_22 {strides = array<i32>} : memref<12608xi32, #tpu.memory_space<vmem>>, vector<16xi32>,
    %barrier3A = arith.constant 0 : index
    tpu.barrier barrier_id(%barrier3A)
    %broadcast_in_dim3A_30 = arith.constant 1.000000e+00 : f32
    %broadcast_in_dim3A_31 = vector.broadcast %broadcast_in_dim3A_30 : f32 to vector<16xf32>
    %eq3A = arith.constant 0 : i32
    %eq3A_32 = arith.cmpi eq, %arg0, %eq3A : i32
    %select_n3A = arith.constant 59 : i32
    %select_n3A_33 = arith.constant 98 : i32
    %select_n3A_34 = arith.select %eq3A_32, %select_n3A_33, %select_n3A : i32
    %while3A = arith.constant 0 : i32
    %while3A_35 = arith.constant 16383 : i32
    %while3A_36 = arith.constant 0 : i32
    %while3A_37 = arith.subi %select_n3A_34, %while3A_36 : i32
    %while3A_38 = arith.addi %while3A_36, %while3A_37 : i32
    %while3A_39 = arith.constant 1 : i32
    %while3A_40 = arith.divsi %while3A_37, %while3A_39 : i32
    %while3A_41 = arith.muli %while3A_40, %while3A_39 : i32
    %while3A_42 = arith.addi %while3A_36, %while3A_41 : i32
    %while3A_43 = arith.constant 1 : i32
    scf.for %while3A_46 = %while3A_36 to %while3A_42 step %while3A_43  : i32 {
      %mul3A_47 = arith.constant 2 : i32
      %mul3A_48 = arith.muli %mul3A_47, %while3A_46 : i32
      %add3A_49 = arith.constant 0 : i32
      %add3A_50 = arith.addi %mul3A_48, %add3A_49 : i32
      %mul3A_51 = arith.constant 64 : i32
      %mul3A_52 = arith.muli %add3A_50, %mul3A_51 : i32
      %add3A_53 = arith.constant 0 : i32
      %add3A_54 = arith.addi %mul3A_52, %add3A_53 : i32
      %get3A = arith.index_cast %add3A_54 : i32 to index
      %get3A_55 = tpu.vector_load %arg6[%get3A] {strides = array<i32>} : memref<12608xi32, #tpu.memory_space<vmem>>, vector<16xi32>,
      %and3A = vector.broadcast %while3A_35 : i32 to vector<16xi32>
      %and3A_56 = arith.andi %get3A_55, %and3A : vector<16xi32>
      %shift_right_logical3A = arith.constant 14 : i32
      %shift_right_logical3A_57 = vector.broadcast %shift_right_logical3A : i32 to vector<16xi32>
      %shift_right_logical3A_58 = arith.shrui %get3A_55, %shift_right_logical3A_57 : vector<16xi32>
      %swap3A_59 = arith.constant 0 : i32
      %swap3A_60 = arith.index_cast %swap3A_59 : i32 to index
      %swap3A_61 = arith.constant 0 : index
      %swap3A_62 = tpu.vector_load %arg7[%swap3A_60, %swap3A_61] {strides = array<i32>} : memref<2x64xi32, #tpu.memory_space<vmem>>, vector<16xi32>,
      tpu.vector_store %arg7[%swap3A_60, %swap3A_61], %shift_right_logical3A_58 {strides = array<i32>} : memref<2x64xi32, #tpu.memory_space<vmem>>, vector<16xi32>,
      %swap3A_63 = arith.constant 0 : i32
      %swap3A_64 = arith.index_cast %swap3A_63 : i32 to index
      %swap3A_65 = arith.constant 0 : index
      %swap3A_66 = tpu.vector_load %arg8[%swap3A_64, %swap3A_65] {strides = array<i32>} : memref<2x64xi32, #tpu.memory_space<vmem>>, vector<16xi32>,
      tpu.vector_store %arg8[%swap3A_64, %swap3A_65], %and3A_56 {strides = array<i32>} : memref<2x64xi32, #tpu.memory_space<vmem>>, vector<16xi32>,
      tpu.vector_store_idx %arg10[%and3A_56], %broadcast_in_dim3A_31 {add = true} : memref<10112xf32, #tpu.memory_space<vmem>>[vector<16xi32>], vector<16xf32>,
      %add3A_67 = arith.constant 16 : i32
      %add3A_68 = arith.addi %mul3A_52, %add3A_67 : i32
      %get3A_69 = arith.index_cast %add3A_68 : i32 to index
      %get3A_70 = tpu.vector_load %arg6[%get3A_69] {strides = array<i32>} : memref<12608xi32, #tpu.memory_space<vmem>>, vector<16xi32>,
      %and3A_71 = vector.broadcast %while3A_35 : i32 to vector<16xi32>
      %and3A_72 = arith.andi %get3A_70, %and3A_71 : vector<16xi32>
      %shift_right_logical3A_73 = arith.constant 14 : i32
      %shift_right_logical3A_74 = vector.broadcast %shift_right_logical3A_73 : i32 to vector<16xi32>
      %shift_right_logical3A_75 = arith.shrui %get3A_70, %shift_right_logical3A_74 : vector<16xi32>
      %swap3A_76 = arith.constant 0 : i32
      %swap3A_77 = arith.index_cast %swap3A_76 : i32 to index
      %swap3A_78 = arith.constant 16 : index
      %swap3A_79 = tpu.vector_load %arg7[%swap3A_77, %swap3A_78] {strides = array<i32>} : memref<2x64xi32, #tpu.memory_space<vmem>>, vector<16xi32>,
      tpu.vector_store %arg7[%swap3A_77, %swap3A_78], %shift_right_logical3A_75 {strides = array<i32>} : memref<2x64xi32, #tpu.memory_space<vmem>>, vector<16xi32>,
      %swap3A_80 = arith.constant 0 : i32
      %swap3A_81 = arith.index_cast %swap3A_80 : i32 to index
      %swap3A_82 = arith.constant 16 : index
      %swap3A_83 = tpu.vector_load %arg8[%swap3A_81, %swap3A_82] {strides = array<i32>} : memref<2x64xi32, #tpu.memory_space<vmem>>, vector<16xi32>,
      tpu.vector_store %arg8[%swap3A_81, %swap3A_82], %and3A_72 {strides = array<i32>} : memref<2x64xi32, #tpu.memory_space<vmem>>, vector<16xi32>,
      tpu.vector_store_idx %arg10[%and3A_72], %broadcast_in_dim3A_31 {add = true} : memref<10112xf32, #tpu.memory_space<vmem>>[vector<16xi32>], vector<16xf32>,
      %add3A_84 = arith.constant 32 : i32
      %add3A_85 = arith.addi %mul3A_52, %add3A_84 : i32
      %get3A_86 = arith.index_cast %add3A_85 : i32 to index
      %get3A_87 = tpu.vector_load %arg6[%get3A_86] {strides = array<i32>} : memref<12608xi32, #tpu.memory_space<vmem>>, vector<16xi32>,
      %and3A_88 = vector.broadcast %while3A_35 : i32 to vector<16xi32>
      %and3A_89 = arith.andi %get3A_87, %and3A_88 : vector<16xi32>
      %shift_right_logical3A_90 = arith.constant 14 : i32
      %shift_right_logical3A_91 = vector.broadcast %shift_right_logical3A_90 : i32 to vector<16xi32>
      %shift_right_logical3A_92 = arith.shrui %get3A_87, %shift_right_logical3A_91 : vector<16xi32>
      %swap3A_93 = arith.constant 0 : i32
      %swap3A_94 = arith.index_cast %swap3A_93 : i32 to index
      %swap3A_95 = arith.constant 32 : index
      %swap3A_96 = tpu.vector_load %arg7[%swap3A_94, %swap3A_95] {strides = array<i32>} : memref<2x64xi32, #tpu.memory_space<vmem>>, vector<16xi32>,
      tpu.vector_store %arg7[%swap3A_94, %swap3A_95], %shift_right_logical3A_92 {strides = array<i32>} : memref<2x64xi32, #tpu.memory_space<vmem>>, vector<16xi32>,
      %swap3A_97 = arith.constant 0 : i32
      %swap3A_98 = arith.index_cast %swap3A_97 : i32 to index
      %swap3A_99 = arith.constant 32 : index
      %swap3A_100 = tpu.vector_load %arg8[%swap3A_98, %swap3A_99] {strides = array<i32>} : memref<2x64xi32, #tpu.memory_space<vmem>>, vector<16xi32>,
      tpu.vector_store %arg8[%swap3A_98, %swap3A_99], %and3A_89 {strides = array<i32>} : memref<2x64xi32, #tpu.memory_space<vmem>>, vector<16xi32>,
      tpu.vector_store_idx %arg10[%and3A_89], %broadcast_in_dim3A_31 {add = true} : memref<10112xf32, #tpu.memory_space<vmem>>[vector<16xi32>], vector<16xf32>,
      %add3A_101 = arith.constant 48 : i32
      %add3A_102 = arith.addi %mul3A_52, %add3A_101 : i32
      %get3A_103 = arith.index_cast %add3A_102 : i32 to index
      %get3A_104 = tpu.vector_load %arg6[%get3A_103] {strides = array<i32>} : memref<12608xi32, #tpu.memory_space<vmem>>, vector<16xi32>,
      %and3A_105 = vector.broadcast %while3A_35 : i32 to vector<16xi32>
      %and3A_106 = arith.andi %get3A_104, %and3A_105 : vector<16xi32>
      %shift_right_logical3A_107 = arith.constant 14 : i32
      %shift_right_logical3A_108 = vector.broadcast %shift_right_logical3A_107 : i32 to vector<16xi32>
      %shift_right_logical3A_109 = arith.shrui %get3A_104, %shift_right_logical3A_108 : vector<16xi32>
      %swap3A_110 = arith.constant 0 : i32
      %swap3A_111 = arith.index_cast %swap3A_110 : i32 to index
      %swap3A_112 = arith.constant 48 : index
      %swap3A_113 = tpu.vector_load %arg7[%swap3A_111, %swap3A_112] {strides = array<i32>} : memref<2x64xi32, #tpu.memory_space<vmem>>, vector<16xi32>,
      tpu.vector_store %arg7[%swap3A_111, %swap3A_112], %shift_right_logical3A_109 {strides = array<i32>} : memref<2x64xi32, #tpu.memory_space<vmem>>, vector<16xi32>,
      %swap3A_114 = arith.constant 0 : i32
      %swap3A_115 = arith.index_cast %swap3A_114 : i32 to index
      %swap3A_116 = arith.constant 48 : index
      %swap3A_117 = tpu.vector_load %arg8[%swap3A_115, %swap3A_116] {strides = array<i32>} : memref<2x64xi32, #tpu.memory_space<vmem>>, vector<16xi32>,
      tpu.vector_store %arg8[%swap3A_115, %swap3A_116], %and3A_106 {strides = array<i32>} : memref<2x64xi32, #tpu.memory_space<vmem>>, vector<16xi32>,
      tpu.vector_store_idx %arg10[%and3A_106], %broadcast_in_dim3A_31 {add = true} : memref<10112xf32, #tpu.memory_space<vmem>>[vector<16xi32>], vector<16xf32>,
      %dma_start3A = arith.constant 0 : i32
      %dma_start3A_118 = arith.constant 0 : i32
      %dma_start3A_119 = arith.constant 0 : i32
      %dma_start3A_120 = arith.constant 0 : i32
      %dma_start3A_121 = tpu.memref_slice %arg9[%dma_start3A_118, %dma_start3A_119, %dma_start3A_120] : memref<2x64x128xf32, #tpu.memory_space<vmem>> -> memref<1x64x128xf32, #tpu.memory_space<vmem>>
      %dma_start3A_122 = tpu.memref_squeeze %dma_start3A_121 : memref<1x64x128xf32, #tpu.memory_space<vmem>> -> memref<64x128xf32, #tpu.memory_space<vmem>>
      %dma_start3A_123 = arith.constant 0 : i32
      %dma_start3A_124 = tpu.memref_slice %arg7[%dma_start3A, %dma_start3A_123] : memref<2x64xi32, #tpu.memory_space<vmem>> -> memref<1x64xi32, #tpu.memory_space<vmem>>
      %dma_start3A_125 = tpu.memref_squeeze %dma_start3A_124 : memref<1x64xi32, #tpu.memory_space<vmem>> -> memref<64xi32, #tpu.memory_space<vmem>>
      %dma_start3A_126 = arith.constant 0 : i32
      %dma_start3A_127 = arith.constant 0 : i32
      %dma_start3A_128 = tpu.memref_slice %arg2[%dma_start3A_126, %dma_start3A_127] : memref<10000x128xf32, #tpu.memory_space<hbm>> -> memref<10000x128xf32, #tpu.memory_space<hbm>>
      tpu.enqueue_indirect_dma source(%dma_start3A_128 : memref<10000x128xf32, #tpu.memory_space<hbm>>) target(%dma_start3A_122 : memref<64x128xf32, #tpu.memory_space<vmem>>) offsets(%dma_start3A_125 : memref<64xi32, #tpu.memory_space<vmem>>) semaphore(%arg12 : memref<!tpu.dma_semaphore, #tpu.memory_space<semaphore_mem>>)
      %add3A_129 = arith.constant 1 : i32
      %add3A_130 = arith.addi %mul3A_48, %add3A_129 : i32
      %mul3A_131 = arith.constant 64 : i32
      %mul3A_132 = arith.muli %add3A_130, %mul3A_131 : i32
      %add3A_133 = arith.constant 0 : i32
      %add3A_134 = arith.addi %mul3A_132, %add3A_133 : i32
      %get3A_135 = arith.index_cast %add3A_134 : i32 to index
      %get3A_136 = tpu.vector_load %arg6[%get3A_135] {strides = array<i32>} : memref<12608xi32, #tpu.memory_space<vmem>>, vector<16xi32>,
      %and3A_137 = vector.broadcast %while3A_35 : i32 to vector<16xi32>
      %and3A_138 = arith.andi %get3A_136, %and3A_137 : vector<16xi32>
      %shift_right_logical3A_139 = arith.constant 14 : i32
      %shift_right_logical3A_140 = vector.broadcast %shift_right_logical3A_139 : i32 to vector<16xi32>
      %shift_right_logical3A_141 = arith.shrui %get3A_136, %shift_right_logical3A_140 : vector<16xi32>
      %swap3A_142 = arith.constant 1 : i32
      %swap3A_143 = arith.index_cast %swap3A_142 : i32 to index
      %swap3A_144 = arith.constant 0 : index
      %swap3A_145 = tpu.vector_load %arg7[%swap3A_143, %swap3A_144] {strides = array<i32>} : memref<2x64xi32, #tpu.memory_space<vmem>>, vector<16xi32>,
      tpu.vector_store %arg7[%swap3A_143, %swap3A_144], %shift_right_logical3A_141 {strides = array<i32>} : memref<2x64xi32, #tpu.memory_space<vmem>>, vector<16xi32>,
      %swap3A_146 = arith.constant 1 : i32
      %swap3A_147 = arith.index_cast %swap3A_146 : i32 to index
      %swap3A_148 = arith.constant 0 : index
      %swap3A_149 = tpu.vector_load %arg8[%swap3A_147, %swap3A_148] {strides = array<i32>} : memref<2x64xi32, #tpu.memory_space<vmem>>, vector<16xi32>,
      tpu.vector_store %arg8[%swap3A_147, %swap3A_148], %and3A_138 {strides = array<i32>} : memref<2x64xi32, #tpu.memory_space<vmem>>, vector<16xi32>,
      tpu.vector_store_idx %arg10[%and3A_138], %broadcast_in_dim3A_31 {add = true} : memref<10112xf32, #tpu.memory_space<vmem>>[vector<16xi32>], vector<16xf32>,
      %add3A_150 = arith.constant 16 : i32
      %add3A_151 = arith.addi %mul3A_132, %add3A_150 : i32
      %get3A_152 = arith.index_cast %add3A_151 : i32 to index
      %get3A_153 = tpu.vector_load %arg6[%get3A_152] {strides = array<i32>} : memref<12608xi32, #tpu.memory_space<vmem>>, vector<16xi32>,
      %and3A_154 = vector.broadcast %while3A_35 : i32 to vector<16xi32>
      %and3A_155 = arith.andi %get3A_153, %and3A_154 : vector<16xi32>
      %shift_right_logical3A_156 = arith.constant 14 : i32
      %shift_right_logical3A_157 = vector.broadcast %shift_right_logical3A_156 : i32 to vector<16xi32>
      %shift_right_logical3A_158 = arith.shrui %get3A_153, %shift_right_logical3A_157 : vector<16xi32>
      %swap3A_159 = arith.constant 1 : i32
      %swap3A_160 = arith.index_cast %swap3A_159 : i32 to index
      %swap3A_161 = arith.constant 16 : index
      %swap3A_162 = tpu.vector_load %arg7[%swap3A_160, %swap3A_161] {strides = array<i32>} : memref<2x64xi32, #tpu.memory_space<vmem>>, vector<16xi32>,
      tpu.vector_store %arg7[%swap3A_160, %swap3A_161], %shift_right_logical3A_158 {strides = array<i32>} : memref<2x64xi32, #tpu.memory_space<vmem>>, vector<16xi32>,
      %swap3A_163 = arith.constant 1 : i32
      %swap3A_164 = arith.index_cast %swap3A_163 : i32 to index
      %swap3A_165 = arith.constant 16 : index
      %swap3A_166 = tpu.vector_load %arg8[%swap3A_164, %swap3A_165] {strides = array<i32>} : memref<2x64xi32, #tpu.memory_space<vmem>>, vector<16xi32>,
      tpu.vector_store %arg8[%swap3A_164, %swap3A_165], %and3A_155 {strides = array<i32>} : memref<2x64xi32, #tpu.memory_space<vmem>>, vector<16xi32>,
      tpu.vector_store_idx %arg10[%and3A_155], %broadcast_in_dim3A_31 {add = true} : memref<10112xf32, #tpu.memory_space<vmem>>[vector<16xi32>], vector<16xf32>,
      %add3A_167 = arith.constant 32 : i32
      %add3A_168 = arith.addi %mul3A_132, %add3A_167 : i32
      %get3A_169 = arith.index_cast %add3A_168 : i32 to index
      %get3A_170 = tpu.vector_load %arg6[%get3A_169] {strides = array<i32>} : memref<12608xi32, #tpu.memory_space<vmem>>, vector<16xi32>,
      %and3A_171 = vector.broadcast %while3A_35 : i32 to vector<16xi32>
      %and3A_172 = arith.andi %get3A_170, %and3A_171 : vector<16xi32>
      %shift_right_logical3A_173 = arith.constant 14 : i32
      %shift_right_logical3A_174 = vector.broadcast %shift_right_logical3A_173 : i32 to vector<16xi32>
      %shift_right_logical3A_175 = arith.shrui %get3A_170, %shift_right_logical3A_174 : vector<16xi32>
      %swap3A_176 = arith.constant 1 : i32
      %swap3A_177 = arith.index_cast %swap3A_176 : i32 to index
      %swap3A_178 = arith.constant 32 : index
      %swap3A_179 = tpu.vector_load %arg7[%swap3A_177, %swap3A_178] {strides = array<i32>} : memref<2x64xi32, #tpu.memory_space<vmem>>, vector<16xi32>,
      tpu.vector_store %arg7[%swap3A_177, %swap3A_178], %shift_right_logical3A_175 {strides = array<i32>} : memref<2x64xi32, #tpu.memory_space<vmem>>, vector<16xi32>,
      %swap3A_180 = arith.constant 1 : i32
      %swap3A_181 = arith.index_cast %swap3A_180 : i32 to index
      %swap3A_182 = arith.constant 32 : index
      %swap3A_183 = tpu.vector_load %arg8[%swap3A_181, %swap3A_182] {strides = array<i32>} : memref<2x64xi32, #tpu.memory_space<vmem>>, vector<16xi32>,
      tpu.vector_store %arg8[%swap3A_181, %swap3A_182], %and3A_172 {strides = array<i32>} : memref<2x64xi32, #tpu.memory_space<vmem>>, vector<16xi32>,
      tpu.vector_store_idx %arg10[%and3A_172], %broadcast_in_dim3A_31 {add = true} : memref<10112xf32, #tpu.memory_space<vmem>>[vector<16xi32>], vector<16xf32>,
      %add3A_184 = arith.constant 48 : i32
      %add3A_185 = arith.addi %mul3A_132, %add3A_184 : i32
      %get3A_186 = arith.index_cast %add3A_185 : i32 to index
      %get3A_187 = tpu.vector_load %arg6[%get3A_186] {strides = array<i32>} : memref<12608xi32, #tpu.memory_space<vmem>>, vector<16xi32>,
      %and3A_188 = vector.broadcast %while3A_35 : i32 to vector<16xi32>
      %and3A_189 = arith.andi %get3A_187, %and3A_188 : vector<16xi32>
      %shift_right_logical3A_190 = arith.constant 14 : i32
      %shift_right_logical3A_191 = vector.broadcast %shift_right_logical3A_190 : i32 to vector<16xi32>
      %shift_right_logical3A_192 = arith.shrui %get3A_187, %shift_right_logical3A_191 : vector<16xi32>
      %swap3A_193 = arith.constant 1 : i32
      %swap3A_194 = arith.index_cast %swap3A_193 : i32 to index
      %swap3A_195 = arith.constant 48 : index
      %swap3A_196 = tpu.vector_load %arg7[%swap3A_194, %swap3A_195] {strides = array<i32>} : memref<2x64xi32, #tpu.memory_space<vmem>>, vector<16xi32>,
      tpu.vector_store %arg7[%swap3A_194, %swap3A_195], %shift_right_logical3A_192 {strides = array<i32>} : memref<2x64xi32, #tpu.memory_space<vmem>>, vector<16xi32>,
      %swap3A_197 = arith.constant 1 : i32
      %swap3A_198 = arith.index_cast %swap3A_197 : i32 to index
      %swap3A_199 = arith.constant 48 : index
      %swap3A_200 = tpu.vector_load %arg8[%swap3A_198, %swap3A_199] {strides = array<i32>} : memref<2x64xi32, #tpu.memory_space<vmem>>, vector<16xi32>,
      tpu.vector_store %arg8[%swap3A_198, %swap3A_199], %and3A_189 {strides = array<i32>} : memref<2x64xi32, #tpu.memory_space<vmem>>, vector<16xi32>,
      tpu.vector_store_idx %arg10[%and3A_189], %broadcast_in_dim3A_31 {add = true} : memref<10112xf32, #tpu.memory_space<vmem>>[vector<16xi32>], vector<16xf32>,
      %dma_start3A_201 = arith.constant 1 : i32
      %dma_start3A_202 = arith.constant 1 : i32
      %dma_start3A_203 = arith.constant 0 : i32
      %dma_start3A_204 = arith.constant 0 : i32
      %dma_start3A_205 = tpu.memref_slice %arg9[%dma_start3A_202, %dma_start3A_203, %dma_start3A_204] : memref<2x64x128xf32, #tpu.memory_space<vmem>> -> memref<1x64x128xf32, #tpu.memory_space<vmem>>
      %dma_start3A_206 = tpu.memref_squeeze %dma_start3A_205 : memref<1x64x128xf32, #tpu.memory_space<vmem>> -> memref<64x128xf32, #tpu.memory_space<vmem>>
      %dma_start3A_207 = arith.constant 0 : i32
      %dma_start3A_208 = tpu.memref_slice %arg7[%dma_start3A_201, %dma_start3A_207] : memref<2x64xi32, #tpu.memory_space<vmem>> -> memref<1x64xi32, #tpu.memory_space<vmem>>
      %dma_start3A_209 = tpu.memref_squeeze %dma_start3A_208 : memref<1x64xi32, #tpu.memory_space<vmem>> -> memref<64xi32, #tpu.memory_space<vmem>>
      %dma_start3A_210 = arith.constant 0 : i32
      %dma_start3A_211 = arith.constant 0 : i32
      %dma_start3A_212 = tpu.memref_slice %arg2[%dma_start3A_210, %dma_start3A_211] : memref<10000x128xf32, #tpu.memory_space<hbm>> -> memref<10000x128xf32, #tpu.memory_space<hbm>>
      tpu.enqueue_indirect_dma source(%dma_start3A_212 : memref<10000x128xf32, #tpu.memory_space<hbm>>) target(%dma_start3A_206 : memref<64x128xf32, #tpu.memory_space<vmem>>) offsets(%dma_start3A_209 : memref<64xi32, #tpu.memory_space<vmem>>) semaphore(%arg12 : memref<!tpu.dma_semaphore, #tpu.memory_space<semaphore_mem>>)
      %dma_wait3A = arith.constant 0 : i32
      %dma_wait3A_213 = arith.constant 0 : i32
      %dma_wait3A_214 = arith.constant 0 : i32
      %dma_wait3A_215 = arith.constant 0 : i32
      %dma_wait3A_216 = tpu.memref_slice %arg9[%dma_wait3A_213, %dma_wait3A_214, %dma_wait3A_215] : memref<2x64x128xf32, #tpu.memory_space<vmem>> -> memref<1x64x128xf32, #tpu.memory_space<vmem>>
      %dma_wait3A_217 = tpu.memref_squeeze %dma_wait3A_216 : memref<1x64x128xf32, #tpu.memory_space<vmem>> -> memref<64x128xf32, #tpu.memory_space<vmem>>
      %dma_wait3A_218 = arith.constant 0 : i32
      %dma_wait3A_219 = tpu.memref_slice %arg7[%dma_wait3A, %dma_wait3A_218] : memref<2x64xi32, #tpu.memory_space<vmem>> -> memref<1x64xi32, #tpu.memory_space<vmem>>
      %dma_wait3A_220 = tpu.memref_squeeze %dma_wait3A_219 : memref<1x64xi32, #tpu.memory_space<vmem>> -> memref<64xi32, #tpu.memory_space<vmem>>
      %dma_wait3A_221 = arith.constant 0 : i32
      %dma_wait3A_222 = arith.constant 0 : i32
      %dma_wait3A_223 = tpu.memref_slice %arg2[%dma_wait3A_221, %dma_wait3A_222] : memref<10000x128xf32, #tpu.memory_space<hbm>> -> memref<10000x128xf32, #tpu.memory_space<hbm>>
      tpu.wait_indirect_dma semaphore(%arg12 : memref<!tpu.dma_semaphore, #tpu.memory_space<semaphore_mem>>) src(%dma_wait3A_223 : memref<10000x128xf32, #tpu.memory_space<hbm>>) dst(%dma_wait3A_217 : memref<64x128xf32, #tpu.memory_space<vmem>>)
      %run_scoped3A = arith.constant 0 : i32
      %run_scoped3A_224 = arith.constant 0 : i32
      "tpu.region"() ({
        %run_scoped3A_239 = tpu.sem_alloc : memref<!tpu.dma_semaphore, #tpu.memory_space<semaphore_mem>>
        %dma_start3A_240 = arith.constant 0 : i32
        %dma_start3A_241 = arith.constant 0 : i32
        %dma_start3A_242 = tpu.memref_slice %arg9[%run_scoped3A, %dma_start3A_240, %dma_start3A_241] : memref<2x64x128xf32, #tpu.memory_space<vmem>> -> memref<1x64x128xf32, #tpu.memory_space<vmem>>
        %dma_start3A_243 = tpu.memref_squeeze %dma_start3A_242 : memref<1x64x128xf32, #tpu.memory_space<vmem>> -> memref<64x128xf32, #tpu.memory_space<vmem>>
        %dma_start3A_244 = arith.constant 0 : i32
        %dma_start3A_245 = tpu.memref_slice %arg8[%run_scoped3A_224, %dma_start3A_244] : memref<2x64xi32, #tpu.memory_space<vmem>> -> memref<1x64xi32, #tpu.memory_space<vmem>>
        %dma_start3A_246 = tpu.memref_squeeze %dma_start3A_245 : memref<1x64xi32, #tpu.memory_space<vmem>> -> memref<64xi32, #tpu.memory_space<vmem>>
        %dma_start3A_247 = arith.constant 0 : i32
        %dma_start3A_248 = arith.constant 0 : i32
        %dma_start3A_249 = tpu.memref_slice %arg11[%dma_start3A_247, %dma_start3A_248] : memref<10112x128xf32, #tpu.memory_space<vmem_shared>> -> memref<10112x128xf32, #tpu.memory_space<vmem_shared>>
        tpu.enqueue_indirect_dma source(%dma_start3A_243 : memref<64x128xf32, #tpu.memory_space<vmem>>) target(%dma_start3A_249 : memref<10112x128xf32, #tpu.memory_space<vmem_shared>>) offsets(%dma_start3A_246 : memref<64xi32, #tpu.memory_space<vmem>>) semaphore(%run_scoped3A_239 : memref<!tpu.dma_semaphore, #tpu.memory_space<semaphore_mem>>) {add = true}
        %dma_wait3A_250 = arith.constant 0 : i32
        %dma_wait3A_251 = arith.constant 0 : i32
        %dma_wait3A_252 = tpu.memref_slice %arg9[%run_scoped3A, %dma_wait3A_250, %dma_wait3A_251] : memref<2x64x128xf32, #tpu.memory_space<vmem>> -> memref<1x64x128xf32, #tpu.memory_space<vmem>>
        %dma_wait3A_253 = tpu.memref_squeeze %dma_wait3A_252 : memref<1x64x128xf32, #tpu.memory_space<vmem>> -> memref<64x128xf32, #tpu.memory_space<vmem>>
        %dma_wait3A_254 = arith.constant 0 : i32
        %dma_wait3A_255 = tpu.memref_slice %arg8[%run_scoped3A_224, %dma_wait3A_254] : memref<2x64xi32, #tpu.memory_space<vmem>> -> memref<1x64xi32, #tpu.memory_space<vmem>>
        %dma_wait3A_256 = tpu.memref_squeeze %dma_wait3A_255 : memref<1x64xi32, #tpu.memory_space<vmem>> -> memref<64xi32, #tpu.memory_space<vmem>>
        %dma_wait3A_257 = arith.constant 0 : i32
        %dma_wait3A_258 = arith.constant 0 : i32
        %dma_wait3A_259 = tpu.memref_slice %arg11[%dma_wait3A_257, %dma_wait3A_258] : memref<10112x128xf32, #tpu.memory_space<vmem_shared>> -> memref<10112x128xf32, #tpu.memory_space<vmem_shared>>
        tpu.wait_indirect_dma semaphore(%run_scoped3A_239 : memref<!tpu.dma_semaphore, #tpu.memory_space<semaphore_mem>>) src(%dma_wait3A_253 : memref<64x128xf32, #tpu.memory_space<vmem>>) dst(%dma_wait3A_259 : memref<10112x128xf32, #tpu.memory_space<vmem_shared>>)
        tpu.yield
      }) : () -> ()
      %dma_wait3A_225 = arith.constant 1 : i32
      %dma_wait3A_226 = arith.constant 1 : i32
      %dma_wait3A_227 = arith.constant 0 : i32
      %dma_wait3A_228 = arith.constant 0 : i32
      %dma_wait3A_229 = tpu.memref_slice %arg9[%dma_wait3A_226, %dma_wait3A_227, %dma_wait3A_228] : memref<2x64x128xf32, #tpu.memory_space<vmem>> -> memref<1x64x128xf32, #tpu.memory_space<vmem>>
      %dma_wait3A_230 = tpu.memref_squeeze %dma_wait3A_229 : memref<1x64x128xf32, #tpu.memory_space<vmem>> -> memref<64x128xf32, #tpu.memory_space<vmem>>
      %dma_wait3A_231 = arith.constant 0 : i32
      %dma_wait3A_232 = tpu.memref_slice %arg7[%dma_wait3A_225, %dma_wait3A_231] : memref<2x64xi32, #tpu.memory_space<vmem>> -> memref<1x64xi32, #tpu.memory_space<vmem>>
      %dma_wait3A_233 = tpu.memref_squeeze %dma_wait3A_232 : memref<1x64xi32, #tpu.memory_space<vmem>> -> memref<64xi32, #tpu.memory_space<vmem>>
      %dma_wait3A_234 = arith.constant 0 : i32
      %dma_wait3A_235 = arith.constant 0 : i32
      %dma_wait3A_236 = tpu.memref_slice %arg2[%dma_wait3A_234, %dma_wait3A_235] : memref<10000x128xf32, #tpu.memory_space<hbm>> -> memref<10000x128xf32, #tpu.memory_space<hbm>>
      tpu.wait_indirect_dma semaphore(%arg12 : memref<!tpu.dma_semaphore, #tpu.memory_space<semaphore_mem>>) src(%dma_wait3A_236 : memref<10000x128xf32, #tpu.memory_space<hbm>>) dst(%dma_wait3A_230 : memref<64x128xf32, #tpu.memory_space<vmem>>)
      %run_scoped3A_237 = arith.constant 1 : i32
      %run_scoped3A_238 = arith.constant 1 : i32
      "tpu.region"() ({
        %run_scoped3A_239 = tpu.sem_alloc : memref<!tpu.dma_semaphore, #tpu.memory_space<semaphore_mem>>
        %dma_start3A_240 = arith.constant 0 : i32
        %dma_start3A_241 = arith.constant 0 : i32
        %dma_start3A_242 = tpu.memref_slice %arg9[%run_scoped3A_237, %dma_start3A_240, %dma_start3A_241] : memref<2x64x128xf32, #tpu.memory_space<vmem>> -> memref<1x64x128xf32, #tpu.memory_space<vmem>>
        %dma_start3A_243 = tpu.memref_squeeze %dma_start3A_242 : memref<1x64x128xf32, #tpu.memory_space<vmem>> -> memref<64x128xf32, #tpu.memory_space<vmem>>
        %dma_start3A_244 = arith.constant 0 : i32
        %dma_start3A_245 = tpu.memref_slice %arg8[%run_scoped3A_238, %dma_start3A_244] : memref<2x64xi32, #tpu.memory_space<vmem>> -> memref<1x64xi32, #tpu.memory_space<vmem>>
        %dma_start3A_246 = tpu.memref_squeeze %dma_start3A_245 : memref<1x64xi32, #tpu.memory_space<vmem>> -> memref<64xi32, #tpu.memory_space<vmem>>
        %dma_start3A_247 = arith.constant 0 : i32
        %dma_start3A_248 = arith.constant 0 : i32
        %dma_start3A_249 = tpu.memref_slice %arg11[%dma_start3A_247, %dma_start3A_248] : memref<10112x128xf32, #tpu.memory_space<vmem_shared>> -> memref<10112x128xf32, #tpu.memory_space<vmem_shared>>
        tpu.enqueue_indirect_dma source(%dma_start3A_243 : memref<64x128xf32, #tpu.memory_space<vmem>>) target(%dma_start3A_249 : memref<10112x128xf32, #tpu.memory_space<vmem_shared>>) offsets(%dma_start3A_246 : memref<64xi32, #tpu.memory_space<vmem>>) semaphore(%run_scoped3A_239 : memref<!tpu.dma_semaphore, #tpu.memory_space<semaphore_mem>>) {add = true}
        %dma_wait3A_250 = arith.constant 0 : i32
        %dma_wait3A_251 = arith.constant 0 : i32
        %dma_wait3A_252 = tpu.memref_slice %arg9[%run_scoped3A_237, %dma_wait3A_250, %dma_wait3A_251] : memref<2x64x128xf32, #tpu.memory_space<vmem>> -> memref<1x64x128xf32, #tpu.memory_space<vmem>>
        %dma_wait3A_253 = tpu.memref_squeeze %dma_wait3A_252 : memref<1x64x128xf32, #tpu.memory_space<vmem>> -> memref<64x128xf32, #tpu.memory_space<vmem>>
        %dma_wait3A_254 = arith.constant 0 : i32
        %dma_wait3A_255 = tpu.memref_slice %arg8[%run_scoped3A_238, %dma_wait3A_254] : memref<2x64xi32, #tpu.memory_space<vmem>> -> memref<1x64xi32, #tpu.memory_space<vmem>>
        %dma_wait3A_256 = tpu.memref_squeeze %dma_wait3A_255 : memref<1x64xi32, #tpu.memory_space<vmem>> -> memref<64xi32, #tpu.memory_space<vmem>>
        %dma_wait3A_257 = arith.constant 0 : i32
        %dma_wait3A_258 = arith.constant 0 : i32
        %dma_wait3A_259 = tpu.memref_slice %arg11[%dma_wait3A_257, %dma_wait3A_258] : memref<10112x128xf32, #tpu.memory_space<vmem_shared>> -> memref<10112x128xf32, #tpu.memory_space<vmem_shared>>
        tpu.wait_indirect_dma semaphore(%run_scoped3A_239 : memref<!tpu.dma_semaphore, #tpu.memory_space<semaphore_mem>>) src(%dma_wait3A_253 : memref<64x128xf32, #tpu.memory_space<vmem>>) dst(%dma_wait3A_259 : memref<10112x128xf32, #tpu.memory_space<vmem_shared>>)
        tpu.yield
      }) : () -> ()
    }
    %while3A_44 = arith.constant 1 : i32
    scf.for %while3A_46 = %while3A_42 to %while3A_38 step %while3A_44  : i32 {
      %mul3A_47 = arith.constant 2 : i32
      %mul3A_48 = arith.muli %mul3A_47, %while3A_46 : i32
      %add3A_49 = arith.constant 0 : i32
      %add3A_50 = arith.addi %mul3A_48, %add3A_49 : i32
      %mul3A_51 = arith.constant 64 : i32
      %mul3A_52 = arith.muli %add3A_50, %mul3A_51 : i32
      %add3A_53 = arith.constant 0 : i32
      %add3A_54 = arith.addi %mul3A_52, %add3A_53 : i32
      %get3A = arith.index_cast %add3A_54 : i32 to index
      %get3A_55 = tpu.vector_load %arg6[%get3A] {strides = array<i32>} : memref<12608xi32, #tpu.memory_space<vmem>>, vector<16xi32>,
      %and3A = vector.broadcast %while3A_35 : i32 to vector<16xi32>
      %and3A_56 = arith.andi %get3A_55, %and3A : vector<16xi32>
      %shift_right_logical3A = arith.constant 14 : i32
      %shift_right_logical3A_57 = vector.broadcast %shift_right_logical3A : i32 to vector<16xi32>
      %shift_right_logical3A_58 = arith.shrui %get3A_55, %shift_right_logical3A_57 : vector<16xi32>
      %swap3A_59 = arith.constant 0 : i32
      %swap3A_60 = arith.index_cast %swap3A_59 : i32 to index
      %swap3A_61 = arith.constant 0 : index
      %swap3A_62 = tpu.vector_load %arg7[%swap3A_60, %swap3A_61] {strides = array<i32>} : memref<2x64xi32, #tpu.memory_space<vmem>>, vector<16xi32>,
      tpu.vector_store %arg7[%swap3A_60, %swap3A_61], %shift_right_logical3A_58 {strides = array<i32>} : memref<2x64xi32, #tpu.memory_space<vmem>>, vector<16xi32>,
      %swap3A_63 = arith.constant 0 : i32
      %swap3A_64 = arith.index_cast %swap3A_63 : i32 to index
      %swap3A_65 = arith.constant 0 : index
      %swap3A_66 = tpu.vector_load %arg8[%swap3A_64, %swap3A_65] {strides = array<i32>} : memref<2x64xi32, #tpu.memory_space<vmem>>, vector<16xi32>,
      tpu.vector_store %arg8[%swap3A_64, %swap3A_65], %and3A_56 {strides = array<i32>} : memref<2x64xi32, #tpu.memory_space<vmem>>, vector<16xi32>,
      tpu.vector_store_idx %arg10[%and3A_56], %broadcast_in_dim3A_31 {add = true} : memref<10112xf32, #tpu.memory_space<vmem>>[vector<16xi32>], vector<16xf32>,
      %add3A_67 = arith.constant 16 : i32
      %add3A_68 = arith.addi %mul3A_52, %add3A_67 : i32
      %get3A_69 = arith.index_cast %add3A_68 : i32 to index
      %get3A_70 = tpu.vector_load %arg6[%get3A_69] {strides = array<i32>} : memref<12608xi32, #tpu.memory_space<vmem>>, vector<16xi32>,
      %and3A_71 = vector.broadcast %while3A_35 : i32 to vector<16xi32>
      %and3A_72 = arith.andi %get3A_70, %and3A_71 : vector<16xi32>
      %shift_right_logical3A_73 = arith.constant 14 : i32
      %shift_right_logical3A_74 = vector.broadcast %shift_right_logical3A_73 : i32 to vector<16xi32>
      %shift_right_logical3A_75 = arith.shrui %get3A_70, %shift_right_logical3A_74 : vector<16xi32>
      %swap3A_76 = arith.constant 0 : i32
      %swap3A_77 = arith.index_cast %swap3A_76 : i32 to index
      %swap3A_78 = arith.constant 16 : index
      %swap3A_79 = tpu.vector_load %arg7[%swap3A_77, %swap3A_78] {strides = array<i32>} : memref<2x64xi32, #tpu.memory_space<vmem>>, vector<16xi32>,
      tpu.vector_store %arg7[%swap3A_77, %swap3A_78], %shift_right_logical3A_75 {strides = array<i32>} : memref<2x64xi32, #tpu.memory_space<vmem>>, vector<16xi32>,
      %swap3A_80 = arith.constant 0 : i32
      %swap3A_81 = arith.index_cast %swap3A_80 : i32 to index
      %swap3A_82 = arith.constant 16 : index
      %swap3A_83 = tpu.vector_load %arg8[%swap3A_81, %swap3A_82] {strides = array<i32>} : memref<2x64xi32, #tpu.memory_space<vmem>>, vector<16xi32>,
      tpu.vector_store %arg8[%swap3A_81, %swap3A_82], %and3A_72 {strides = array<i32>} : memref<2x64xi32, #tpu.memory_space<vmem>>, vector<16xi32>,
      tpu.vector_store_idx %arg10[%and3A_72], %broadcast_in_dim3A_31 {add = true} : memref<10112xf32, #tpu.memory_space<vmem>>[vector<16xi32>], vector<16xf32>,
      %add3A_84 = arith.constant 32 : i32
      %add3A_85 = arith.addi %mul3A_52, %add3A_84 : i32
      %get3A_86 = arith.index_cast %add3A_85 : i32 to index
      %get3A_87 = tpu.vector_load %arg6[%get3A_86] {strides = array<i32>} : memref<12608xi32, #tpu.memory_space<vmem>>, vector<16xi32>,
      %and3A_88 = vector.broadcast %while3A_35 : i32 to vector<16xi32>
      %and3A_89 = arith.andi %get3A_87, %and3A_88 : vector<16xi32>
      %shift_right_logical3A_90 = arith.constant 14 : i32
      %shift_right_logical3A_91 = vector.broadcast %shift_right_logical3A_90 : i32 to vector<16xi32>
      %shift_right_logical3A_92 = arith.shrui %get3A_87, %shift_right_logical3A_91 : vector<16xi32>
      %swap3A_93 = arith.constant 0 : i32
      %swap3A_94 = arith.index_cast %swap3A_93 : i32 to index
      %swap3A_95 = arith.constant 32 : index
      %swap3A_96 = tpu.vector_load %arg7[%swap3A_94, %swap3A_95] {strides = array<i32>} : memref<2x64xi32, #tpu.memory_space<vmem>>, vector<16xi32>,
      tpu.vector_store %arg7[%swap3A_94, %swap3A_95], %shift_right_logical3A_92 {strides = array<i32>} : memref<2x64xi32, #tpu.memory_space<vmem>>, vector<16xi32>,
      %swap3A_97 = arith.constant 0 : i32
      %swap3A_98 = arith.index_cast %swap3A_97 : i32 to index
      %swap3A_99 = arith.constant 32 : index
      %swap3A_100 = tpu.vector_load %arg8[%swap3A_98, %swap3A_99] {strides = array<i32>} : memref<2x64xi32, #tpu.memory_space<vmem>>, vector<16xi32>,
      tpu.vector_store %arg8[%swap3A_98, %swap3A_99], %and3A_89 {strides = array<i32>} : memref<2x64xi32, #tpu.memory_space<vmem>>, vector<16xi32>,
      tpu.vector_store_idx %arg10[%and3A_89], %broadcast_in_dim3A_31 {add = true} : memref<10112xf32, #tpu.memory_space<vmem>>[vector<16xi32>], vector<16xf32>,
      %add3A_101 = arith.constant 48 : i32
      %add3A_102 = arith.addi %mul3A_52, %add3A_101 : i32
      %get3A_103 = arith.index_cast %add3A_102 : i32 to index
      %get3A_104 = tpu.vector_load %arg6[%get3A_103] {strides = array<i32>} : memref<12608xi32, #tpu.memory_space<vmem>>, vector<16xi32>,
      %and3A_105 = vector.broadcast %while3A_35 : i32 to vector<16xi32>
      %and3A_106 = arith.andi %get3A_104, %and3A_105 : vector<16xi32>
      %shift_right_logical3A_107 = arith.constant 14 : i32
      %shift_right_logical3A_108 = vector.broadcast %shift_right_logical3A_107 : i32 to vector<16xi32>
      %shift_right_logical3A_109 = arith.shrui %get3A_104, %shift_right_logical3A_108 : vector<16xi32>
      %swap3A_110 = arith.constant 0 : i32
      %swap3A_111 = arith.index_cast %swap3A_110 : i32 to index
      %swap3A_112 = arith.constant 48 : index
      %swap3A_113 = tpu.vector_load %arg7[%swap3A_111, %swap3A_112] {strides = array<i32>} : memref<2x64xi32, #tpu.memory_space<vmem>>, vector<16xi32>,
      tpu.vector_store %arg7[%swap3A_111, %swap3A_112], %shift_right_logical3A_109 {strides = array<i32>} : memref<2x64xi32, #tpu.memory_space<vmem>>, vector<16xi32>,
      %swap3A_114 = arith.constant 0 : i32
      %swap3A_115 = arith.index_cast %swap3A_114 : i32 to index
      %swap3A_116 = arith.constant 48 : index
      %swap3A_117 = tpu.vector_load %arg8[%swap3A_115, %swap3A_116] {strides = array<i32>} : memref<2x64xi32, #tpu.memory_space<vmem>>, vector<16xi32>,
      tpu.vector_store %arg8[%swap3A_115, %swap3A_116], %and3A_106 {strides = array<i32>} : memref<2x64xi32, #tpu.memory_space<vmem>>, vector<16xi32>,
      tpu.vector_store_idx %arg10[%and3A_106], %broadcast_in_dim3A_31 {add = true} : memref<10112xf32, #tpu.memory_space<vmem>>[vector<16xi32>], vector<16xf32>,
      %dma_start3A = arith.constant 0 : i32
      %dma_start3A_118 = arith.constant 0 : i32
      %dma_start3A_119 = arith.constant 0 : i32
      %dma_start3A_120 = arith.constant 0 : i32
      %dma_start3A_121 = tpu.memref_slice %arg9[%dma_start3A_118, %dma_start3A_119, %dma_start3A_120] : memref<2x64x128xf32, #tpu.memory_space<vmem>> -> memref<1x64x128xf32, #tpu.memory_space<vmem>>
      %dma_start3A_122 = tpu.memref_squeeze %dma_start3A_121 : memref<1x64x128xf32, #tpu.memory_space<vmem>> -> memref<64x128xf32, #tpu.memory_space<vmem>>
      %dma_start3A_123 = arith.constant 0 : i32
      %dma_start3A_124 = tpu.memref_slice %arg7[%dma_start3A, %dma_start3A_123] : memref<2x64xi32, #tpu.memory_space<vmem>> -> memref<1x64xi32, #tpu.memory_space<vmem>>
      %dma_start3A_125 = tpu.memref_squeeze %dma_start3A_124 : memref<1x64xi32, #tpu.memory_space<vmem>> -> memref<64xi32, #tpu.memory_space<vmem>>
      %dma_start3A_126 = arith.constant 0 : i32
      %dma_start3A_127 = arith.constant 0 : i32
      %dma_start3A_128 = tpu.memref_slice %arg2[%dma_start3A_126, %dma_start3A_127] : memref<10000x128xf32, #tpu.memory_space<hbm>> -> memref<10000x128xf32, #tpu.memory_space<hbm>>
      tpu.enqueue_indirect_dma source(%dma_start3A_128 : memref<10000x128xf32, #tpu.memory_space<hbm>>) target(%dma_start3A_122 : memref<64x128xf32, #tpu.memory_space<vmem>>) offsets(%dma_start3A_125 : memref<64xi32, #tpu.memory_space<vmem>>) semaphore(%arg12 : memref<!tpu.dma_semaphore, #tpu.memory_space<semaphore_mem>>)
      %add3A_129 = arith.constant 1 : i32
      %add3A_130 = arith.addi %mul3A_48, %add3A_129 : i32
      %mul3A_131 = arith.constant 64 : i32
      %mul3A_132 = arith.muli %add3A_130, %mul3A_131 : i32
      %add3A_133 = arith.constant 0 : i32
      %add3A_134 = arith.addi %mul3A_132, %add3A_133 : i32
      %get3A_135 = arith.index_cast %add3A_134 : i32 to index
      %get3A_136 = tpu.vector_load %arg6[%get3A_135] {strides = array<i32>} : memref<12608xi32, #tpu.memory_space<vmem>>, vector<16xi32>,
      %and3A_137 = vector.broadcast %while3A_35 : i32 to vector<16xi32>
      %and3A_138 = arith.andi %get3A_136, %and3A_137 : vector<16xi32>
      %shift_right_logical3A_139 = arith.constant 14 : i32
      %shift_right_logical3A_140 = vector.broadcast %shift_right_logical3A_139 : i32 to vector<16xi32>
      %shift_right_logical3A_141 = arith.shrui %get3A_136, %shift_right_logical3A_140 : vector<16xi32>
      %swap3A_142 = arith.constant 1 : i32
      %swap3A_143 = arith.index_cast %swap3A_142 : i32 to index
      %swap3A_144 = arith.constant 0 : index
      %swap3A_145 = tpu.vector_load %arg7[%swap3A_143, %swap3A_144] {strides = array<i32>} : memref<2x64xi32, #tpu.memory_space<vmem>>, vector<16xi32>,
      tpu.vector_store %arg7[%swap3A_143, %swap3A_144], %shift_right_logical3A_141 {strides = array<i32>} : memref<2x64xi32, #tpu.memory_space<vmem>>, vector<16xi32>,
      %swap3A_146 = arith.constant 1 : i32
      %swap3A_147 = arith.index_cast %swap3A_146 : i32 to index
      %swap3A_148 = arith.constant 0 : index
      %swap3A_149 = tpu.vector_load %arg8[%swap3A_147, %swap3A_148] {strides = array<i32>} : memref<2x64xi32, #tpu.memory_space<vmem>>, vector<16xi32>,
      tpu.vector_store %arg8[%swap3A_147, %swap3A_148], %and3A_138 {strides = array<i32>} : memref<2x64xi32, #tpu.memory_space<vmem>>, vector<16xi32>,
      tpu.vector_store_idx %arg10[%and3A_138], %broadcast_in_dim3A_31 {add = true} : memref<10112xf32, #tpu.memory_space<vmem>>[vector<16xi32>], vector<16xf32>,
      %add3A_150 = arith.constant 16 : i32
      %add3A_151 = arith.addi %mul3A_132, %add3A_150 : i32
      %get3A_152 = arith.index_cast %add3A_151 : i32 to index
      %get3A_153 = tpu.vector_load %arg6[%get3A_152] {strides = array<i32>} : memref<12608xi32, #tpu.memory_space<vmem>>, vector<16xi32>,
      %and3A_154 = vector.broadcast %while3A_35 : i32 to vector<16xi32>
      %and3A_155 = arith.andi %get3A_153, %and3A_154 : vector<16xi32>
      %shift_right_logical3A_156 = arith.constant 14 : i32
      %shift_right_logical3A_157 = vector.broadcast %shift_right_logical3A_156 : i32 to vector<16xi32>
      %shift_right_logical3A_158 = arith.shrui %get3A_153, %shift_right_logical3A_157 : vector<16xi32>
      %swap3A_159 = arith.constant 1 : i32
      %swap3A_160 = arith.index_cast %swap3A_159 : i32 to index
      %swap3A_161 = arith.constant 16 : index
      %swap3A_162 = tpu.vector_load %arg7[%swap3A_160, %swap3A_161] {strides = array<i32>} : memref<2x64xi32, #tpu.memory_space<vmem>>, vector<16xi32>,
      tpu.vector_store %arg7[%swap3A_160, %swap3A_161], %shift_right_logical3A_158 {strides = array<i32>} : memref<2x64xi32, #tpu.memory_space<vmem>>, vector<16xi32>,
      %swap3A_163 = arith.constant 1 : i32
      %swap3A_164 = arith.index_cast %swap3A_163 : i32 to index
      %swap3A_165 = arith.constant 16 : index
      %swap3A_166 = tpu.vector_load %arg8[%swap3A_164, %swap3A_165] {strides = array<i32>} : memref<2x64xi32, #tpu.memory_space<vmem>>, vector<16xi32>,
      tpu.vector_store %arg8[%swap3A_164, %swap3A_165], %and3A_155 {strides = array<i32>} : memref<2x64xi32, #tpu.memory_space<vmem>>, vector<16xi32>,
      tpu.vector_store_idx %arg10[%and3A_155], %broadcast_in_dim3A_31 {add = true} : memref<10112xf32, #tpu.memory_space<vmem>>[vector<16xi32>], vector<16xf32>,
      %add3A_167 = arith.constant 32 : i32
      %add3A_168 = arith.addi %mul3A_132, %add3A_167 : i32
      %get3A_169 = arith.index_cast %add3A_168 : i32 to index
      %get3A_170 = tpu.vector_load %arg6[%get3A_169] {strides = array<i32>} : memref<12608xi32, #tpu.memory_space<vmem>>, vector<16xi32>,
      %and3A_171 = vector.broadcast %while3A_35 : i32 to vector<16xi32>
      %and3A_172 = arith.andi %get3A_170, %and3A_171 : vector<16xi32>
      %shift_right_logical3A_173 = arith.constant 14 : i32
      %shift_right_logical3A_174 = vector.broadcast %shift_right_logical3A_173 : i32 to vector<16xi32>
      %shift_right_logical3A_175 = arith.shrui %get3A_170, %shift_right_logical3A_174 : vector<16xi32>
      %swap3A_176 = arith.constant 1 : i32
      %swap3A_177 = arith.index_cast %swap3A_176 : i32 to index
      %swap3A_178 = arith.constant 32 : index
      %swap3A_179 = tpu.vector_load %arg7[%swap3A_177, %swap3A_178] {strides = array<i32>} : memref<2x64xi32, #tpu.memory_space<vmem>>, vector<16xi32>,
      tpu.vector_store %arg7[%swap3A_177, %swap3A_178], %shift_right_logical3A_175 {strides = array<i32>} : memref<2x64xi32, #tpu.memory_space<vmem>>, vector<16xi32>,
      %swap3A_180 = arith.constant 1 : i32
      %swap3A_181 = arith.index_cast %swap3A_180 : i32 to index
      %swap3A_182 = arith.constant 32 : index
      %swap3A_183 = tpu.vector_load %arg8[%swap3A_181, %swap3A_182] {strides = array<i32>} : memref<2x64xi32, #tpu.memory_space<vmem>>, vector<16xi32>,
      tpu.vector_store %arg8[%swap3A_181, %swap3A_182], %and3A_172 {strides = array<i32>} : memref<2x64xi32, #tpu.memory_space<vmem>>, vector<16xi32>,
      tpu.vector_store_idx %arg10[%and3A_172], %broadcast_in_dim3A_31 {add = true} : memref<10112xf32, #tpu.memory_space<vmem>>[vector<16xi32>], vector<16xf32>,
      %add3A_184 = arith.constant 48 : i32
      %add3A_185 = arith.addi %mul3A_132, %add3A_184 : i32
      %get3A_186 = arith.index_cast %add3A_185 : i32 to index
      %get3A_187 = tpu.vector_load %arg6[%get3A_186] {strides = array<i32>} : memref<12608xi32, #tpu.memory_space<vmem>>, vector<16xi32>,
      %and3A_188 = vector.broadcast %while3A_35 : i32 to vector<16xi32>
      %and3A_189 = arith.andi %get3A_187, %and3A_188 : vector<16xi32>
      %shift_right_logical3A_190 = arith.constant 14 : i32
      %shift_right_logical3A_191 = vector.broadcast %shift_right_logical3A_190 : i32 to vector<16xi32>
      %shift_right_logical3A_192 = arith.shrui %get3A_187, %shift_right_logical3A_191 : vector<16xi32>
      %swap3A_193 = arith.constant 1 : i32
      %swap3A_194 = arith.index_cast %swap3A_193 : i32 to index
      %swap3A_195 = arith.constant 48 : index
      %swap3A_196 = tpu.vector_load %arg7[%swap3A_194, %swap3A_195] {strides = array<i32>} : memref<2x64xi32, #tpu.memory_space<vmem>>, vector<16xi32>,
      tpu.vector_store %arg7[%swap3A_194, %swap3A_195], %shift_right_logical3A_192 {strides = array<i32>} : memref<2x64xi32, #tpu.memory_space<vmem>>, vector<16xi32>,
      %swap3A_197 = arith.constant 1 : i32
      %swap3A_198 = arith.index_cast %swap3A_197 : i32 to index
      %swap3A_199 = arith.constant 48 : index
      %swap3A_200 = tpu.vector_load %arg8[%swap3A_198, %swap3A_199] {strides = array<i32>} : memref<2x64xi32, #tpu.memory_space<vmem>>, vector<16xi32>,
      tpu.vector_store %arg8[%swap3A_198, %swap3A_199], %and3A_189 {strides = array<i32>} : memref<2x64xi32, #tpu.memory_space<vmem>>, vector<16xi32>,
      tpu.vector_store_idx %arg10[%and3A_189], %broadcast_in_dim3A_31 {add = true} : memref<10112xf32, #tpu.memory_space<vmem>>[vector<16xi32>], vector<16xf32>,
      %dma_start3A_201 = arith.constant 1 : i32
      %dma_start3A_202 = arith.constant 1 : i32
      %dma_start3A_203 = arith.constant 0 : i32
      %dma_start3A_204 = arith.constant 0 : i32
      %dma_start3A_205 = tpu.memref_slice %arg9[%dma_start3A_202, %dma_start3A_203, %dma_start3A_204] : memref<2x64x128xf32, #tpu.memory_space<vmem>> -> memref<1x64x128xf32, #tpu.memory_space<vmem>>
      %dma_start3A_206 = tpu.memref_squeeze %dma_start3A_205 : memref<1x64x128xf32, #tpu.memory_space<vmem>> -> memref<64x128xf32, #tpu.memory_space<vmem>>
      %dma_start3A_207 = arith.constant 0 : i32
      %dma_start3A_208 = tpu.memref_slice %arg7[%dma_start3A_201, %dma_start3A_207] : memref<2x64xi32, #tpu.memory_space<vmem>> -> memref<1x64xi32, #tpu.memory_space<vmem>>
      %dma_start3A_209 = tpu.memref_squeeze %dma_start3A_208 : memref<1x64xi32, #tpu.memory_space<vmem>> -> memref<64xi32, #tpu.memory_space<vmem>>
      %dma_start3A_210 = arith.constant 0 : i32
      %dma_start3A_211 = arith.constant 0 : i32
      %dma_start3A_212 = tpu.memref_slice %arg2[%dma_start3A_210, %dma_start3A_211] : memref<10000x128xf32, #tpu.memory_space<hbm>> -> memref<10000x128xf32, #tpu.memory_space<hbm>>
      tpu.enqueue_indirect_dma source(%dma_start3A_212 : memref<10000x128xf32, #tpu.memory_space<hbm>>) target(%dma_start3A_206 : memref<64x128xf32, #tpu.memory_space<vmem>>) offsets(%dma_start3A_209 : memref<64xi32, #tpu.memory_space<vmem>>) semaphore(%arg12 : memref<!tpu.dma_semaphore, #tpu.memory_space<semaphore_mem>>)
      %dma_wait3A = arith.constant 0 : i32
      %dma_wait3A_213 = arith.constant 0 : i32
      %dma_wait3A_214 = arith.constant 0 : i32
      %dma_wait3A_215 = arith.constant 0 : i32
      %dma_wait3A_216 = tpu.memref_slice %arg9[%dma_wait3A_213, %dma_wait3A_214, %dma_wait3A_215] : memref<2x64x128xf32, #tpu.memory_space<vmem>> -> memref<1x64x128xf32, #tpu.memory_space<vmem>>
      %dma_wait3A_217 = tpu.memref_squeeze %dma_wait3A_216 : memref<1x64x128xf32, #tpu.memory_space<vmem>> -> memref<64x128xf32, #tpu.memory_space<vmem>>
      %dma_wait3A_218 = arith.constant 0 : i32
      %dma_wait3A_219 = tpu.memref_slice %arg7[%dma_wait3A, %dma_wait3A_218] : memref<2x64xi32, #tpu.memory_space<vmem>> -> memref<1x64xi32, #tpu.memory_space<vmem>>
      %dma_wait3A_220 = tpu.memref_squeeze %dma_wait3A_219 : memref<1x64xi32, #tpu.memory_space<vmem>> -> memref<64xi32, #tpu.memory_space<vmem>>
      %dma_wait3A_221 = arith.constant 0 : i32
      %dma_wait3A_222 = arith.constant 0 : i32
      %dma_wait3A_223 = tpu.memref_slice %arg2[%dma_wait3A_221, %dma_wait3A_222] : memref<10000x128xf32, #tpu.memory_space<hbm>> -> memref<10000x128xf32, #tpu.memory_space<hbm>>
      tpu.wait_indirect_dma semaphore(%arg12 : memref<!tpu.dma_semaphore, #tpu.memory_space<semaphore_mem>>) src(%dma_wait3A_223 : memref<10000x128xf32, #tpu.memory_space<hbm>>) dst(%dma_wait3A_217 : memref<64x128xf32, #tpu.memory_space<vmem>>)
      %run_scoped3A = arith.constant 0 : i32
      %run_scoped3A_224 = arith.constant 0 : i32
      "tpu.region"() ({
        %run_scoped3A_239 = tpu.sem_alloc : memref<!tpu.dma_semaphore, #tpu.memory_space<semaphore_mem>>
        %dma_start3A_240 = arith.constant 0 : i32
        %dma_start3A_241 = arith.constant 0 : i32
        %dma_start3A_242 = tpu.memref_slice %arg9[%run_scoped3A, %dma_start3A_240, %dma_start3A_241] : memref<2x64x128xf32, #tpu.memory_space<vmem>> -> memref<1x64x128xf32, #tpu.memory_space<vmem>>
        %dma_start3A_243 = tpu.memref_squeeze %dma_start3A_242 : memref<1x64x128xf32, #tpu.memory_space<vmem>> -> memref<64x128xf32, #tpu.memory_space<vmem>>
        %dma_start3A_244 = arith.constant 0 : i32
        %dma_start3A_245 = tpu.memref_slice %arg8[%run_scoped3A_224, %dma_start3A_244] : memref<2x64xi32, #tpu.memory_space<vmem>> -> memref<1x64xi32, #tpu.memory_space<vmem>>
        %dma_start3A_246 = tpu.memref_squeeze %dma_start3A_245 : memref<1x64xi32, #tpu.memory_space<vmem>> -> memref<64xi32, #tpu.memory_space<vmem>>
        %dma_start3A_247 = arith.constant 0 : i32
        %dma_start3A_248 = arith.constant 0 : i32
        %dma_start3A_249 = tpu.memref_slice %arg11[%dma_start3A_247, %dma_start3A_248] : memref<10112x128xf32, #tpu.memory_space<vmem_shared>> -> memref<10112x128xf32, #tpu.memory_space<vmem_shared>>
        tpu.enqueue_indirect_dma source(%dma_start3A_243 : memref<64x128xf32, #tpu.memory_space<vmem>>) target(%dma_start3A_249 : memref<10112x128xf32, #tpu.memory_space<vmem_shared>>) offsets(%dma_start3A_246 : memref<64xi32, #tpu.memory_space<vmem>>) semaphore(%run_scoped3A_239 : memref<!tpu.dma_semaphore, #tpu.memory_space<semaphore_mem>>) {add = true}
        %dma_wait3A_250 = arith.constant 0 : i32
        %dma_wait3A_251 = arith.constant 0 : i32
        %dma_wait3A_252 = tpu.memref_slice %arg9[%run_scoped3A, %dma_wait3A_250, %dma_wait3A_251] : memref<2x64x128xf32, #tpu.memory_space<vmem>> -> memref<1x64x128xf32, #tpu.memory_space<vmem>>
        %dma_wait3A_253 = tpu.memref_squeeze %dma_wait3A_252 : memref<1x64x128xf32, #tpu.memory_space<vmem>> -> memref<64x128xf32, #tpu.memory_space<vmem>>
        %dma_wait3A_254 = arith.constant 0 : i32
        %dma_wait3A_255 = tpu.memref_slice %arg8[%run_scoped3A_224, %dma_wait3A_254] : memref<2x64xi32, #tpu.memory_space<vmem>> -> memref<1x64xi32, #tpu.memory_space<vmem>>
        %dma_wait3A_256 = tpu.memref_squeeze %dma_wait3A_255 : memref<1x64xi32, #tpu.memory_space<vmem>> -> memref<64xi32, #tpu.memory_space<vmem>>
        %dma_wait3A_257 = arith.constant 0 : i32
        %dma_wait3A_258 = arith.constant 0 : i32
        %dma_wait3A_259 = tpu.memref_slice %arg11[%dma_wait3A_257, %dma_wait3A_258] : memref<10112x128xf32, #tpu.memory_space<vmem_shared>> -> memref<10112x128xf32, #tpu.memory_space<vmem_shared>>
        tpu.wait_indirect_dma semaphore(%run_scoped3A_239 : memref<!tpu.dma_semaphore, #tpu.memory_space<semaphore_mem>>) src(%dma_wait3A_253 : memref<64x128xf32, #tpu.memory_space<vmem>>) dst(%dma_wait3A_259 : memref<10112x128xf32, #tpu.memory_space<vmem_shared>>)
        tpu.yield
      }) : () -> ()
      %dma_wait3A_225 = arith.constant 1 : i32
      %dma_wait3A_226 = arith.constant 1 : i32
      %dma_wait3A_227 = arith.constant 0 : i32
      %dma_wait3A_228 = arith.constant 0 : i32
      %dma_wait3A_229 = tpu.memref_slice %arg9[%dma_wait3A_226, %dma_wait3A_227, %dma_wait3A_228] : memref<2x64x128xf32, #tpu.memory_space<vmem>> -> memref<1x64x128xf32, #tpu.memory_space<vmem>>
      %dma_wait3A_230 = tpu.memref_squeeze %dma_wait3A_229 : memref<1x64x128xf32, #tpu.memory_space<vmem>> -> memref<64x128xf32, #tpu.memory_space<vmem>>
      %dma_wait3A_231 = arith.constant 0 : i32
      %dma_wait3A_232 = tpu.memref_slice %arg7[%dma_wait3A_225, %dma_wait3A_231] : memref<2x64xi32, #tpu.memory_space<vmem>> -> memref<1x64xi32, #tpu.memory_space<vmem>>
      %dma_wait3A_233 = tpu.memref_squeeze %dma_wait3A_232 : memref<1x64xi32, #tpu.memory_space<vmem>> -> memref<64xi32, #tpu.memory_space<vmem>>
      %dma_wait3A_234 = arith.constant 0 : i32
      %dma_wait3A_235 = arith.constant 0 : i32
      %dma_wait3A_236 = tpu.memref_slice %arg2[%dma_wait3A_234, %dma_wait3A_235] : memref<10000x128xf32, #tpu.memory_space<hbm>> -> memref<10000x128xf32, #tpu.memory_space<hbm>>
      tpu.wait_indirect_dma semaphore(%arg12 : memref<!tpu.dma_semaphore, #tpu.memory_space<semaphore_mem>>) src(%dma_wait3A_236 : memref<10000x128xf32, #tpu.memory_space<hbm>>) dst(%dma_wait3A_230 : memref<64x128xf32, #tpu.memory_space<vmem>>)
      %run_scoped3A_237 = arith.constant 1 : i32
      %run_scoped3A_238 = arith.constant 1 : i32
      "tpu.region"() ({
        %run_scoped3A_239 = tpu.sem_alloc : memref<!tpu.dma_semaphore, #tpu.memory_space<semaphore_mem>>
        %dma_start3A_240 = arith.constant 0 : i32
        %dma_start3A_241 = arith.constant 0 : i32
        %dma_start3A_242 = tpu.memref_slice %arg9[%run_scoped3A_237, %dma_start3A_240, %dma_start3A_241] : memref<2x64x128xf32, #tpu.memory_space<vmem>> -> memref<1x64x128xf32, #tpu.memory_space<vmem>>
        %dma_start3A_243 = tpu.memref_squeeze %dma_start3A_242 : memref<1x64x128xf32, #tpu.memory_space<vmem>> -> memref<64x128xf32, #tpu.memory_space<vmem>>
        %dma_start3A_244 = arith.constant 0 : i32
        %dma_start3A_245 = tpu.memref_slice %arg8[%run_scoped3A_238, %dma_start3A_244] : memref<2x64xi32, #tpu.memory_space<vmem>> -> memref<1x64xi32, #tpu.memory_space<vmem>>
        %dma_start3A_246 = tpu.memref_squeeze %dma_start3A_245 : memref<1x64xi32, #tpu.memory_space<vmem>> -> memref<64xi32, #tpu.memory_space<vmem>>
        %dma_start3A_247 = arith.constant 0 : i32
        %dma_start3A_248 = arith.constant 0 : i32
        %dma_start3A_249 = tpu.memref_slice %arg11[%dma_start3A_247, %dma_start3A_248] : memref<10112x128xf32, #tpu.memory_space<vmem_shared>> -> memref<10112x128xf32, #tpu.memory_space<vmem_shared>>
        tpu.enqueue_indirect_dma source(%dma_start3A_243 : memref<64x128xf32, #tpu.memory_space<vmem>>) target(%dma_start3A_249 : memref<10112x128xf32, #tpu.memory_space<vmem_shared>>) offsets(%dma_start3A_246 : memref<64xi32, #tpu.memory_space<vmem>>) semaphore(%run_scoped3A_239 : memref<!tpu.dma_semaphore, #tpu.memory_space<semaphore_mem>>) {add = true}
        %dma_wait3A_250 = arith.constant 0 : i32
        %dma_wait3A_251 = arith.constant 0 : i32
        %dma_wait3A_252 = tpu.memref_slice %arg9[%run_scoped3A_237, %dma_wait3A_250, %dma_wait3A_251] : memref<2x64x128xf32, #tpu.memory_space<vmem>> -> memref<1x64x128xf32, #tpu.memory_space<vmem>>
        %dma_wait3A_253 = tpu.memref_squeeze %dma_wait3A_252 : memref<1x64x128xf32, #tpu.memory_space<vmem>> -> memref<64x128xf32, #tpu.memory_space<vmem>>
        %dma_wait3A_254 = arith.constant 0 : i32
        %dma_wait3A_255 = tpu.memref_slice %arg8[%run_scoped3A_238, %dma_wait3A_254] : memref<2x64xi32, #tpu.memory_space<vmem>> -> memref<1x64xi32, #tpu.memory_space<vmem>>
        %dma_wait3A_256 = tpu.memref_squeeze %dma_wait3A_255 : memref<1x64xi32, #tpu.memory_space<vmem>> -> memref<64xi32, #tpu.memory_space<vmem>>
        %dma_wait3A_257 = arith.constant 0 : i32
        %dma_wait3A_258 = arith.constant 0 : i32
        %dma_wait3A_259 = tpu.memref_slice %arg11[%dma_wait3A_257, %dma_wait3A_258] : memref<10112x128xf32, #tpu.memory_space<vmem_shared>> -> memref<10112x128xf32, #tpu.memory_space<vmem_shared>>
        tpu.wait_indirect_dma semaphore(%run_scoped3A_239 : memref<!tpu.dma_semaphore, #tpu.memory_space<semaphore_mem>>) src(%dma_wait3A_253 : memref<64x128xf32, #tpu.memory_space<vmem>>) dst(%dma_wait3A_259 : memref<10112x128xf32, #tpu.memory_space<vmem_shared>>)
        tpu.yield
      }) : () -> ()
    }
    %barrier3A_45 = arith.constant 0 : index
    tpu.barrier barrier_id(%barrier3A_45)
    "tpu.region"() ({
      %run_scoped3A = tpu.sem_alloc : memref<!tpu.dma_semaphore, #tpu.memory_space<semaphore_mem>>
      %dma_start3A = arith.constant 0 : i32
      %dma_start3A_46 = tpu.memref_slice %arg4[%arg0, %mul3A_2, %dma_start3A] : memref<2x10112x128xf32, #tpu.memory_space<hbm>> -> memref<1x632x128xf32, #tpu.memory_space<hbm>>
      %dma_start3A_47 = tpu.memref_squeeze %dma_start3A_46 : memref<1x632x128xf32, #tpu.memory_space<hbm>> -> memref<632x128xf32, #tpu.memory_space<hbm>>
      %dma_start3A_48 = arith.constant 0 : i32
      %dma_start3A_49 = tpu.memref_slice %arg11[%mul3A_2, %dma_start3A_48] : memref<10112x128xf32, #tpu.memory_space<vmem_shared>> -> memref<632x128xf32, #tpu.memory_space<vmem_shared>>
      tpu.enqueue_dma source(%dma_start3A_49 : memref<632x128xf32, #tpu.memory_space<vmem_shared>>) target(%dma_start3A_47 : memref<632x128xf32, #tpu.memory_space<hbm>>) target_semaphore(%run_scoped3A : memref<!tpu.dma_semaphore, #tpu.memory_space<semaphore_mem>>)
      %dma_wait3A = arith.constant 0 : i32
      %dma_wait3A_50 = tpu.memref_slice %arg4[%arg0, %mul3A_2, %dma_wait3A] : memref<2x10112x128xf32, #tpu.memory_space<hbm>> -> memref<1x632x128xf32, #tpu.memory_space<hbm>>
      %dma_wait3A_51 = tpu.memref_squeeze %dma_wait3A_50 : memref<1x632x128xf32, #tpu.memory_space<hbm>> -> memref<632x128xf32, #tpu.memory_space<hbm>>
      %dma_wait3A_52 = arith.constant 0 : i32
      %dma_wait3A_53 = tpu.memref_slice %arg11[%mul3A_2, %dma_wait3A_52] : memref<10112x128xf32, #tpu.memory_space<vmem_shared>> -> memref<632x128xf32, #tpu.memory_space<vmem_shared>>
      tpu.wait_dma2 semaphore(%run_scoped3A : memref<!tpu.dma_semaphore, #tpu.memory_space<semaphore_mem>>) src(%dma_wait3A_53 : memref<632x128xf32, #tpu.memory_space<vmem_shared>>) dst(%dma_wait3A_51 : memref<632x128xf32, #tpu.memory_space<hbm>>)
      tpu.yield
    }) : () -> ()
    "tpu.region"() ({
      %run_scoped3A = tpu.sem_alloc : memref<!tpu.dma_semaphore, #tpu.memory_space<semaphore_mem>>
      %dma_start3A = arith.constant 0 : i32
      %dma_start3A_46 = tpu.memref_slice %arg5[%add3A, %dma_start3A] : memref<32x10112xf32, #tpu.memory_space<hbm>> -> memref<1x10112xf32, #tpu.memory_space<hbm>>
      %dma_start3A_47 = tpu.memref_squeeze %dma_start3A_46 : memref<1x10112xf32, #tpu.memory_space<hbm>> -> memref<10112xf32, #tpu.memory_space<hbm>>
      %dma_start3A_48 = arith.constant 0 : i32
      %dma_start3A_49 = tpu.memref_slice %arg5[%add3A, %dma_start3A_48] : memref<32x10112xf32, #tpu.memory_space<hbm>> -> memref<1x10112xf32, #tpu.memory_space<hbm>>
      %dma_start3A_50 = tpu.memref_squeeze %dma_start3A_49 : memref<1x10112xf32, #tpu.memory_space<hbm>> -> memref<10112xf32, #tpu.memory_space<hbm>>
      tpu.enqueue_dma source(%arg10 : memref<10112xf32, #tpu.memory_space<vmem>>) target(%dma_start3A_50 : memref<10112xf32, #tpu.memory_space<hbm>>) target_semaphore(%run_scoped3A : memref<!tpu.dma_semaphore, #tpu.memory_space<semaphore_mem>>)
      %dma_wait3A = arith.constant 0 : i32
      %dma_wait3A_51 = tpu.memref_slice %arg5[%add3A, %dma_wait3A] : memref<32x10112xf32, #tpu.memory_space<hbm>> -> memref<1x10112xf32, #tpu.memory_space<hbm>>
      %dma_wait3A_52 = tpu.memref_squeeze %dma_wait3A_51 : memref<1x10112xf32, #tpu.memory_space<hbm>> -> memref<10112xf32, #tpu.memory_space<hbm>>
      %dma_wait3A_53 = arith.constant 0 : i32
      %dma_wait3A_54 = tpu.memref_slice %arg5[%add3A, %dma_wait3A_53] : memref<32x10112xf32, #tpu.memory_space<hbm>> -> memref<1x10112xf32, #tpu.memory_space<hbm>>
      %dma_wait3A_55 = tpu.memref_squeeze %dma_wait3A_54 : memref<1x10112xf32, #tpu.memory_space<hbm>> -> memref<10112xf32, #tpu.memory_space<hbm>>
      tpu.wait_dma2 semaphore(%run_scoped3A : memref<!tpu.dma_semaphore, #tpu.memory_space<semaphore_mem>>) src(%arg10 : memref<10112xf32, #tpu.memory_space<vmem>>) dst(%dma_wait3A_55 : memref<10112xf32, #tpu.memory_space<hbm>>)
      tpu.yield
    }) : () -> ()
    return
  }
}

module attributes {stable_mosaic.version = 14 : i64} {
  func.func @body(%arg0: i32, %arg1: memref<2048x128xf32, #tpu.memory_space<vmem>>, %arg2: memref<2048x128xf32, #tpu.memory_space<vmem>>, %arg3: memref<2x2048x128xf32, #tpu.memory_space<vmem>>, %arg4: memref<32x2048xf32, #tpu.memory_space<vmem>>, %arg5: memref<128x128xf32, #tpu.memory_space<vmem>>, %arg6: memref<128x128xf32, #tpu.memory_space<vmem>>, %arg7: memref<1x128xf32, #tpu.memory_space<vmem>>, %arg8: memref<32x1xf32, #tpu.memory_space<vmem>>, %arg9: memref<2048x128xf32, #tpu.memory_space<vmem>>) attributes {dimension_semantics = [#tpu.dimension_semantics<arbitrary>], iteration_bounds = array<i64: 5>, scalar_prefetch = 0 : i64, scratch_operands = 0 : i64, tpu.core_type = #tpu.core_type<tc>, window_params = [{transform_indices = @transform_0, window_bounds = array<i64: 2048, 128>}, {transform_indices = @transform_1, window_bounds = array<i64: 2048, 128>}, {transform_indices = @transform_2, window_bounds = array<i64: 2, 2048, 128>}, {transform_indices = @transform_3, window_bounds = array<i64: 32, 2048>}, {pipeline_mode = #tpu.pipeline_mode<synchronous>, transform_indices = @transform_4, window_bounds = array<i64: 128, 128>}, {pipeline_mode = #tpu.pipeline_mode<synchronous>, transform_indices = @transform_5, window_bounds = array<i64: 128, 128>}, {pipeline_mode = #tpu.pipeline_mode<synchronous>, transform_indices = @transform_6, window_bounds = array<i64: 1, 128>}, {pipeline_mode = #tpu.pipeline_mode<synchronous>, transform_indices = @transform_7, window_bounds = array<i64: 32, 1>}, {transform_indices = @transform_8, window_bounds = array<i64: 2048, 128>}]} {
    %get3A = arith.constant 0 : index
    %get3A_0 = arith.constant 0 : index
    %get3A_1 = arith.constant 0 : index
    %get3A_2 = vector.load %arg3[%get3A, %get3A_0, %get3A_1] : memref<2x2048x128xf32, #tpu.memory_space<vmem>>, vector<1x2048x128xf32>
    %get3A_3 = vector.shape_cast %get3A_2 : vector<1x2048x128xf32> to vector<2048x128xf32>
    %get3A_4 = arith.constant 1 : index
    %get3A_5 = arith.constant 0 : index
    %get3A_6 = arith.constant 0 : index
    %get3A_7 = vector.load %arg3[%get3A_4, %get3A_5, %get3A_6] : memref<2x2048x128xf32, #tpu.memory_space<vmem>>, vector<1x2048x128xf32>
    %get3A_8 = vector.shape_cast %get3A_7 : vector<1x2048x128xf32> to vector<2048x128xf32>
    %add3A = arith.addf %get3A_3, %get3A_8 : vector<2048x128xf32>
    %get3A_9 = arith.constant 0 : index
    %get3A_10 = arith.constant 0 : index
    %get3A_11 = vector.load %arg4[%get3A_9, %get3A_10] : memref<32x2048xf32, #tpu.memory_space<vmem>>, vector<32x2048xf32>
    %get3A_12 = arith.constant 0 : index
    %get3A_13 = arith.constant 0 : index
    %get3A_14 = vector.load %arg8[%get3A_12, %get3A_13] : memref<32x1xf32, #tpu.memory_space<vmem>>, vector<32x1xf32>
    %dot_general3A = arith.constant dense<0.000000e+00> : vector<2048x1xf32>
    %dot_general3A_15 = tpu.matmul %get3A_11, %get3A_14, %dot_general3A {dimension_numbers = #tpu.dot_dimension_numbers<[0], [0], [1], [1], [0, 1, 1, 1], [], []>, transpose_lhs_hint = false} : vector<32x2048xf32>, vector<32x1xf32>, vector<2048x1xf32> -> vector<2048x1xf32>
    %max3A = arith.constant 1.000000e+00 : f32
    %max3A_16 = vector.broadcast %max3A : f32 to vector<2048x1xf32>
    %max3A_17 = arith.maximumf %dot_general3A_15, %max3A_16 : vector<2048x1xf32>
    %div3A = arith.constant 1.000000e+00 : f32
    %div3A_18 = vector.broadcast %div3A : f32 to vector<2048x1xf32>
    %div3A_19 = arith.divf %div3A_18, %max3A_17 : vector<2048x1xf32>
    %gt3A = arith.constant 0.000000e+00 : f32
    %gt3A_20 = vector.broadcast %gt3A : f32 to vector<2048x1xf32>
    %gt3A_21 = arith.cmpf ogt, %dot_general3A_15, %gt3A_20 : vector<2048x1xf32>
    %convert_element_type3A = arith.extui %gt3A_21 : vector<2048x1xi1> to vector<2048x1xi32>
    %convert_element_type3A_22 = arith.sitofp %convert_element_type3A : vector<2048x1xi32> to vector<2048x1xf32>
    %get3A_23 = arith.constant 0 : index
    %get3A_24 = arith.constant 0 : index
    %get3A_25 = vector.load %arg1[%get3A_23, %get3A_24] : memref<2048x128xf32, #tpu.memory_space<vmem>>, vector<2048x128xf32>
    %mul3A = vector.broadcast %convert_element_type3A_22 : vector<2048x1xf32> to vector<2048x128xf32>
    %mul3A_26 = arith.mulf %get3A_25, %mul3A : vector<2048x128xf32>
    %mul3A_27 = vector.broadcast %div3A_19 : vector<2048x1xf32> to vector<2048x128xf32>
    %mul3A_28 = arith.mulf %add3A, %mul3A_27 : vector<2048x128xf32>
    %sub3A = arith.subf %mul3A_26, %mul3A_28 : vector<2048x128xf32>
    %get3A_29 = arith.constant 0 : index
    %get3A_30 = arith.constant 0 : index
    %get3A_31 = vector.load %arg5[%get3A_29, %get3A_30] : memref<128x128xf32, #tpu.memory_space<vmem>>, vector<128x128xf32>
    %dot_general3A_32 = arith.constant dense<0.000000e+00> : vector<2048x128xf32>
    %dot_general3A_33 = tpu.matmul %sub3A, %get3A_31, %dot_general3A_32 {dimension_numbers = #tpu.dot_dimension_numbers<[1], [1], [0], [0], [0, 0, 1, 0], [], []>, transpose_lhs_hint = false} : vector<2048x128xf32>, vector<128x128xf32>, vector<2048x128xf32> -> vector<2048x128xf32>
    %get3A_34 = arith.constant 0 : index
    %get3A_35 = arith.constant 0 : index
    %get3A_36 = vector.load %arg2[%get3A_34, %get3A_35] : memref<2048x128xf32, #tpu.memory_space<vmem>>, vector<2048x128xf32>
    %get3A_37 = arith.constant 0 : index
    %get3A_38 = arith.constant 0 : index
    %get3A_39 = vector.load %arg6[%get3A_37, %get3A_38] : memref<128x128xf32, #tpu.memory_space<vmem>>, vector<128x128xf32>
    %dot_general3A_40 = arith.constant dense<0.000000e+00> : vector<2048x128xf32>
    %dot_general3A_41 = tpu.matmul %get3A_36, %get3A_39, %dot_general3A_40 {dimension_numbers = #tpu.dot_dimension_numbers<[1], [1], [0], [0], [0, 0, 1, 0], [], []>, transpose_lhs_hint = false} : vector<2048x128xf32>, vector<128x128xf32>, vector<2048x128xf32> -> vector<2048x128xf32>
    %add3A_42 = arith.addf %dot_general3A_33, %dot_general3A_41 : vector<2048x128xf32>
    %get3A_43 = arith.constant 0 : index
    %get3A_44 = arith.constant 0 : index
    %get3A_45 = vector.load %arg7[%get3A_43, %get3A_44] : memref<1x128xf32, #tpu.memory_space<vmem>>, vector<1x128xf32>
    %add3A_46 = vector.broadcast %get3A_45 : vector<1x128xf32> to vector<2048x128xf32>
    %add3A_47 = arith.addf %add3A_42, %add3A_46 : vector<2048x128xf32>
    %max3A_48 = arith.constant 0.000000e+00 : f32
    %max3A_49 = vector.broadcast %max3A_48 : f32 to vector<2048x128xf32>
    %max3A_50 = arith.maximumf %add3A_47, %max3A_49 : vector<2048x128xf32>
    %swap3A = arith.constant 0 : index
    %swap3A_51 = arith.constant 0 : index
    %swap3A_52 = vector.load %arg9[%swap3A, %swap3A_51] : memref<2048x128xf32, #tpu.memory_space<vmem>>, vector<2048x128xf32>
    tpu.vector_store %arg9[%swap3A, %swap3A_51], %max3A_50 {strides = array<i32>} : memref<2048x128xf32, #tpu.memory_space<vmem>>, vector<2048x128xf32>,
    return
  }
  func.func @transform_0(%arg0: i32) -> (i32, i32) {
    %c0_i32 = arith.constant 0 : i32
    %c0_i32_0 = arith.constant 0 : i32
    return %arg0, %c0_i32 : i32, i32
  }
  func.func @transform_1(%arg0: i32) -> (i32, i32) {
    %c0_i32 = arith.constant 0 : i32
    %c0_i32_0 = arith.constant 0 : i32
    return %arg0, %c0_i32 : i32, i32
  }
  func.func @transform_2(%arg0: i32) -> (i32, i32, i32) {
    %c0_i32 = arith.constant 0 : i32
    %c0_i32_0 = arith.constant 0 : i32
    %c0_i32_1 = arith.constant 0 : i32
    return %c0_i32, %arg0, %c0_i32_0 : i32, i32, i32
  }
  func.func @transform_3(%arg0: i32) -> (i32, i32) {
    %c0_i32 = arith.constant 0 : i32
    %c0_i32_0 = arith.constant 0 : i32
    return %c0_i32, %arg0 : i32, i32
  }
  func.func @transform_4(%arg0: i32) -> (i32, i32) {
    %c0_i32 = arith.constant 0 : i32
    %c0_i32_0 = arith.constant 0 : i32
    %c0_i32_1 = arith.constant 0 : i32
    return %c0_i32, %c0_i32_0 : i32, i32
  }
  func.func @transform_5(%arg0: i32) -> (i32, i32) {
    %c0_i32 = arith.constant 0 : i32
    %c0_i32_0 = arith.constant 0 : i32
    %c0_i32_1 = arith.constant 0 : i32
    return %c0_i32, %c0_i32_0 : i32, i32
  }
  func.func @transform_6(%arg0: i32) -> (i32, i32) {
    %c0_i32 = arith.constant 0 : i32
    %c0_i32_0 = arith.constant 0 : i32
    %c0_i32_1 = arith.constant 0 : i32
    return %c0_i32, %c0_i32_0 : i32, i32
  }
  func.func @transform_7(%arg0: i32) -> (i32, i32) {
    %c0_i32 = arith.constant 0 : i32
    %c0_i32_0 = arith.constant 0 : i32
    %c0_i32_1 = arith.constant 0 : i32
    return %c0_i32, %c0_i32_0 : i32, i32
  }
  func.func @transform_8(%arg0: i32) -> (i32, i32) {
    %c0_i32 = arith.constant 0 : i32
    %c0_i32_0 = arith.constant 0 : i32
    return %arg0, %c0_i32 : i32, i32
  }
}

</mosaic_0001>

<sc_bundles>
// kernel: kernel.4.cloned.1.call-start
scs
__scs_entry_jumppad:
0x0: {  	(pc) =	sbr.rel $0x88, $3  }
0x1: {  	(tag) =	ssettag $0x0;
	lr =	simm.s32 $0x1  }
0x2: {  	[smem:$0x3F9B] =	sst lr;
	_ =	strace $0xD0000000  }
0x3: {  	_ = 	snop  }
0x4: {  	_ = 	snop  }
0x5: {  	_ = 	snop  }
0x6: {  	_ = 	snop  }
0x7: {  	_ = 	snop  }
__scs_overlays_trampoline_lowered:
0x8: {  	[smem:$0x3FAA] =	sst s0  }
0x9: {  	[smem:$0x3FAB] =	sst s1  }
0xa: {  	[smem:$0x3FAC] =	sst s2  }
0xb: {  	[smem:$0x3FAD] =	sst s3  }
0xc: {  	[smem:$0x3FAE] =	sst s4  }
0xd: {  	[smem:$0x3FAF] =	sst s5  }
0xe: {  	[smem:$0x3FB0] =	sst s6  }
0xf: {  	[smem:$0x3FB1] =	sst s7  }
0x10: {  	[smem:$0x3FB2] =	sst s8  }
0x11: {  	[smem:$0x3FB3] =	sst s9;
	s0 =	simm.s32 @!p0 $0x0  }
0x12: {  	s1 =	sld [smem:$0x3F99];
	s0 =	simm.s32 @p0 $0x1  }
0x13: {  	[smem:$0x3FB4] =	sst s0;
	s0 =	simm.s32 @!p1 $0x0  }
0x14: {  	s2 =	sld [smem:$0x3F98];
	s0 =	simm.s32 @p1 $0x1  }
0x15: {  	[smem:$0x3FB5] =	sst s0;
	s0 =	simm.s32 @!p2 $0x0  }
0x16: {  	s3 =	sld [smem:$0x3FDB];
	s0 =	simm.s32 @p2 $0x1  }
0x17: {  	s4 =	simm.s32 $0x1BF5;
	[smem:$0x3FB7] =	sst s0  }
0x18: {  	s0 =	sld [smem:$0x3F9A];
	_ =	swait.ge [sflag:s4], $0x0  }
0x19: {  	s7 =	sld [smem:$0x3F9B]  }
0x1a: {  	s8 =	sadd.s32 $0xFFFFE003, lr  }
0x1b: {  	s9 =	sadd.s32 $0xFFFFFEF7, lr;
	s5 =	simm.s32 $0xFFFFFFFF;
	p2 =	slt.u32 s8, $0xFFFFF086  }
0x1c: {  	p1 =	slt.u32 s9, $0xF7A;
	s5 =	simm.s32 @!p2 $0x0  }
0x1d: {  	s5 =	simm.s32 @p1 $0x1;
	p0 =	seq.s32 s7, s2  }
0x1e: {  	s7 =	smul.u32 @!p0 $0xF7A, s2;
	p2 =	seq.s32 @!p0 s5, $0x0  }
0x1f: {  	s9 =	smul.u32 $0xF7A, s1;
	s8 =	simm.s32 @!p0 $0x1BF5;
	p2 =	por !p2, p0  }
0x20: {  	[sflag:s8] =	ssyncset.s32 @!p0 $0xFFFFF086;
	s6 =	sadd.s32 @!p0 s3, s7;
	s7 =	simm.s32 @!p0 $0x108  }
0x21: {  	s3 =	sadd.s32 s3, s9;
	s6 =	sadd.s32 @!p0 $0x88, s6;
	s7 =	simm.s32 @p2 $0x1082  }
0x22: {  	[simem:s7], [sflag:s8] =	dma.local @!p0 [hbm:s6], $0xF7A  }
0x23: {  	s9 =	sor.u32 $0xD0000000, s2;
	s6 =	simm.s32 $0x108;
	_ =	swait.ge @!p0 [sflag:s8], $0x0  }
0x24: {  	s3 =	sadd.s32 $0x88, s3;
	s6 =	simm.s32 @!p1 $0x1082;
	[sflag:s4] =	ssyncset.s32 $0xFFFFF086  }
0x25: {  	[simem:s6], [sflag:s4] =	dma.local [hbm:s3], $0xF7A  }
0x26: {  	[smem:$0x3F9B] =	sst s1;
	(tag) =	ssettag s2;
	_ =	strace s9  }
0x27: {  	s1 =	sld [smem:$0x3FAB]  }
0x28: {  	s2 =	sld [smem:$0x3FAC]  }
0x29: {  	s4 =	sld [smem:$0x3FAE]  }
0x2a: {  	p0 =	seq.s32 s5, $0x0;
	s5 =	sld [smem:$0x3FAF]  }
0x2b: {  	s6 =	sld [smem:$0x3FB0]  }
0x2c: {  	s7 =	sld [smem:$0x3FB1]  }
0x2d: {  	s3 =	simm.s32 $0x108;
	s8 =	sld [smem:$0x3FB2]  }
0x2e: {  	s3 =	simm.s32 @!p0 $0x1082;
	s9 =	sld [smem:$0x3FB3]  }
0x2f: {  	lr =	sadd.s32 s0, s3;
	s0 =	sld [smem:$0x3FAA]  }
0x30: {  	s3 =	sld [smem:$0x3FAD]  }
0x31: {  	[smem:$0x3FB6] =	sst s10  }
0x32: {  	s10 =	sld [smem:$0x3FB4];
	_ =	sdelay $0x3  }
0x33: {  	p0 =	seq.s32 s10, $0x1;
	s10 =	sld [smem:$0x3FB6];
	_ =	sdelay $0x3  }
0x34: {  	[smem:$0x3FB6] =	sst s10  }
0x35: {  	s10 =	sld [smem:$0x3FB5];
	_ =	sdelay $0x3  }
0x36: {  	p1 =	seq.s32 s10, $0x1;
	s10 =	sld [smem:$0x3FB6];
	_ =	sdelay $0x3  }
0x37: {  	[smem:$0x3FB6] =	sst s10  }
0x38: {  	s10 =	sld [smem:$0x3FB7]  }
0x39: {  	_ = 	snop;
	(pc) =	sbr.ind lr, $3  }
0x3a: {  	_ = 	snop  }
0x3b: {  	_ = 	snop  }
0x3c: {  	p2 =	seq.s32 s10, $0x1;
	s10 =	sld [smem:$0x3FB6]  }
0x3d: {  	_ =	shalt  }
0x3e: {  	_ =	shalt  }
0x3f: {  	_ =	shalt  }
0x40: {  	_ =	shalt  }
0x41: {  	_ =	shalt  }
0x42: {  	_ =	shalt  }
0x43: {  	_ =	shalt  }
0x44: {  	_ =	shalt  }
0x45: {  	_ =	shalt  }
0x46: {  	_ =	shalt  }
0x47: {  	_ =	shalt  }
0x48: {  	_ =	shalt  }
0x49: {  	_ =	shalt  }
0x4a: {  	_ =	shalt  }
0x4b: {  	_ =	shalt  }
0x4c: {  	_ =	shalt  }
0x4d: {  	_ =	shalt  }
0x4e: {  	_ =	shalt  }
0x4f: {  	_ =	shalt  }
0x50: {  	_ =	shalt  }
0x51: {  	_ =	shalt  }
0x52: {  	_ =	shalt  }
0x53: {  	_ =	shalt  }
0x54: {  	_ =	shalt  }
0x55: {  	_ =	shalt  }
0x56: {  	_ =	shalt  }
0x57: {  	_ =	shalt  }
0x58: {  	_ =	shalt  }
0x59: {  	_ =	shalt  }
0x5a: {  	_ =	shalt  }
0x5b: {  	_ =	shalt  }
0x5c: {  	_ =	shalt  }
0x5d: {  	_ =	shalt  }
0x5e: {  	_ =	shalt  }
0x5f: {  	_ =	shalt  }
0x60: {  	_ =	shalt  }
0x61: {  	_ =	shalt  }
0x62: {  	_ =	shalt  }
0x63: {  	_ =	shalt  }
0x64: {  	_ =	shalt  }
0x65: {  	_ =	shalt  }
0x66: {  	_ =	shalt  }
0x67: {  	_ =	shalt  }
0x68: {  	_ =	shalt  }
0x69: {  	_ =	shalt  }
0x6a: {  	_ =	shalt  }
0x6b: {  	_ =	shalt  }
0x6c: {  	_ =	shalt  }
0x6d: {  	_ =	shalt  }
0x6e: {  	_ =	shalt  }
0x6f: {  	_ =	shalt  }
0x70: {  	_ =	shalt  }
0x71: {  	_ =	shalt  }
0x72: {  	_ =	shalt  }
0x73: {  	_ =	shalt  }
0x74: {  	_ =	shalt  }
0x75: {  	_ =	shalt  }
0x76: {  	_ =	shalt  }
0x77: {  	_ =	shalt  }
0x78: {  	_ =	shalt  }
0x79: {  	_ =	shalt  }
0x7a: {  	_ =	shalt  }
0x7b: {  	_ =	shalt  }
0x7c: {  	_ =	shalt  }
0x7d: {  	_ =	shalt  }
0x7e: {  	_ =	shalt  }
0x7f: {  	_ =	shalt  }
0x80: {  	_ =	shalt  }
0x81: {  	_ =	shalt  }
0x82: {  	_ =	shalt  }
0x83: {  	_ =	shalt  }
0x84: {  	_ =	shalt  }
0x85: {  	_ =	shalt  }
0x86: {  	_ =	shalt  }
0x87: {  	_ =	shalt  }
.Lfunc_end0:
.L_simem_size_0:
called_computation_lowered:
.L_overlay_start_0:
0x88: {  	s2 =	sld [smem:$0x3FD9]  }
0x89: {  	s3 =	sld [smem:$0x3FFE];
	_ =	sdelay $0x1  }
0x8a: {  	s1 =	srdreg.scid  }
0x8b: {  	s0 =	sand.u32 $0x1, s1  }
0x8c: {  	s17 =	sshll.u32 s0, $0xA;
	s2 =	sadd.s32 s3, s2  }
0x8d: {  	s2 =	sadd.s32 s2, s17  }
0x8e: {  	[smem:$0x3FC2] =	sst s2  }
0x8f: {  	_ = 	snop  }
0x90: {  	s2 =	sld [smem:$0x3FC9]  }
0x91: {  	s18 =	sld [smem:$0x3FD0];
	(tm) =	ssettm $0x1  }
0x92: {  	s4 =	sld [smem:$0x3FFB];
	_ =	sdelay $0x3  }
0x93: {  	_ =	strace s4  }
0x94: {  	s4 =	sld [smem:$0x3FFC];
	_ =	sdelay $0x3  }
0x95: {  	_ =	strace s4  }
0x96: {  	s4 =	sld [smem:$0x3FFD];
	_ =	sdelay $0x3  }
0x97: {  	_ =	strace s4  }
0x98: {  	_ =	strace $0x8FFFFFFF  }
0x99: {  	s19 =	sld [smem:$0x3FDB];
	_ =	sdelay $0x1  }
0x9a: {  	s5 =	simm.s32 $_scs_section_size  }
0x9b: {  	s6 =	simm.s32 $_size__tile_overlayer_lowered;
	s7 =	simm.s32 $_tile_overlayer_lowered  }
0x9c: {  	s22 =	simm.s32 $0x1BFF;
	s21 =	sshll.u32 s7, $0x1;
	s4 =	sadd.s32 s5, s19  }
0x9d: {  	s8 =	simm.s32 $0x0;
	s20 =	sshll.u32 s6, $0x1;
	s6 =	sadd.s32 s21, s4  }
0x9e: {  	[timem:s8], [sflag:s22] =	dma.local [hbm:s6], s20  }
0x9f: {  	_ =	swait.ge [sflag:s22], s20  }
0xa0: {  	s5 =	ssub.s32 $0x0, s20;
	[sflag:s22] =	ssyncset.done $0x0  }
0xa1: {  	[sflag:s22] =	ssyncadd.s32 s5;
	_ =	sdelay $0x1  }
0xa2: {  	s23 =	simm.s32 $0x1B8B  }
0xa3: {  	_ =	swait.ge [sflag:s23], $0x1  }
0xa4: {  	[sflag:s23] =	ssyncset.done $0x0  }
0xa5: {  	s25 =	simm.s32 $0x1B8E;
	s24 =	sld [smem:$0x3FFE];
	[sflag:s23] =	ssyncadd.s32 $0xFFFFFFFF  }
0xa6: {  	s26 =	simm.s32 $execute0_lowered;
	[smem:$0x3FD2] =	sst s25  }
0xa7: {  	s6 =	sshll.u32 s26, $0x1;
	_ =	strace $0x80000046;
	[dreg:$0x1] =	wrdreg $0xFFFFFFFF  }
0xa8: {  	s28 =	simm.s32 $_size_execute0_lowered;
	s4 =	sadd.s32 s4, s6;
	[dreg:$0x0] =	wrdreg $0x0  }
0xa9: {  	s6 =	sshll.u32 s28, $0x1;
	[dreg:$0x2] =	wrdreg s4  }
0xaa: {  	[dreg:$0x3] =	wrdreg s6  }
0xab: {  	[dreg:$0x4] =	wrdreg $0xC0  }
0xac: {  	_ =	task [dreg:s8], $0x5FFFF  }
0xad: {  	[dreg:$0x1] =	wrdreg $0xFFFFFFFF  }
0xae: {  	[dreg:$0x0] =	wrdreg $0x60  }
0xaf: {  	[dreg:$0x2] =	wrdreg s2  }
0xb0: {  	[dreg:$0x3] =	wrdreg s18  }
0xb1: {  	[dreg:$0x4] =	wrdreg s24  }
0xb2: {  	[dreg:$0x5] =	wrdreg $0x9B000  }
0xb3: {  	[dreg:$0x6] =	wrdreg $0x9  }
0xb4: {  	_ =	task.clear_ibuf [dreg:s8], $0x7FFFF;
	_ =	strace $0x90000046  }
0xb5: {  	s29 =	simm.s32 $0x9;
	_ =	strace $0x80000048  }
0xb6: {  	_ =	swait.ge [sflag:s29], $0x1  }
0xb7: {  	[sflag:s29] =	ssyncadd.s32 $0xFFFFFFFF  }
0xb8: {  	_ =	strace $0x90000048  }
0xb9: {  	_ =	sfence  }
0xba: {  	s30 =	sld [smem:$0x0];
	_ =	sdelay $0x2  }
0xbb: {  	s31 =	sshll.u32 s1, $0xD;
	s1 =	sshrl.u32 s1, $0x2  }
0xbc: {  	s3 =	sand.u32 $0x4000, s31;
	s1 =	sadd.s32 s1, s30  }
0xbd: {  	s0 =	sor.u32 s3, s0;
	s1 =	sshll.u32 s1, $0x11  }
0xbe: {  	s0 =	sor.u32 s1, s0  }
0xbf: {  	s0 =	sadd.s32 $0x8F2B, s0  }
0xc0: {  	[sflag:s0] =	ssyncadd.remote.s32 $0x1  }
0xc1: {  	_ =	sfence.sel $0xFFFF  }
0xc2: {  	[dreg:$0x0] =	wrdreg $0xFFFFFFFF;
	(pc) =	sbr.abs _section_cstart, $3  }
0xc3: {  	[dreg:$0x1] =	wrdreg $0xFFFFFFFF  }
0xc4: {  	_ =	task.clear_ibuf [dreg:s8], $0x2FFFF;
	_ =	strace $0x9FFFFFFF  }
0xc5: {  	(tm) =	ssettm $0x7FFFFFFF  }
tec
execute0_lowered:
.L_overlay_start_1:
0x0: {  	(tag) =	ssettag $0x1  }
0x1: {  	s1 =	rddreg [dreg:$0x0]  }
0x2: {  	s0 =	rddreg [dreg:$0x1]  }
0x3: {  	s2 =	rddreg [dreg:$0x2]  }
0x4: {  	s3 =	rddreg [dreg:$0x3]  }
0x5: {  	s4 =	srdreg.scid;
	s15 =	stileid.u32;
	s8 =	simm.s32 $0x0  }
0x6: {  	s28 =	simm.s32 $0x3180;
	s29 =	simm.s32 $0x3200;
	s30 =	simm.s32 $0x5380  }
0x7: {  	s31 =	simm.s32 $0x1;
	s4 =	sand.u32 $0x1, s4;
	s7 =	smul.u32 $0x13C00, s15  }
0x8: {  	[smem:$0x7FF] =	sst s8;
	s18 =	sshll.u32 s15, $0x7;
	s21 =	smul.u32 $0x4F000, s15  }
0x9: {  	s24 =	sshll.u32 s15, $0xD;
	s25 =	sor.u32 $0x90, s15;
	s5 =	smul.u32 $0x13C000, s4  }
0xa: {  	s6 =	sshll.u32 s4, $0x4;
	_ =	strace $0x80000047;
	s9 =	ssub.s32 $0x2, s4  }
0xb: {  	p0 =	seq.s32 s4, $0x0;
	s26 =	sshll.u32 s25, $0xD;
	s4 =	simm.s32 $0x3300  }
0xc: {  	s6 =	sor.u32 s15, s6;
	s20 =	sshrl.u32 s9, $0x1;
	s23 =	sshrl.u32 s21, $0x2  }
0xd: {  	s21 =	simm.s32 $0x2;
	s6 =	sshrl.u32 s6, $0x3;
	s5 =	sadd.s32 s7, s5  }
0xe: {  	s7 =	sand.u32 $0x380, s18;
	s10 =	ssub.s32 s9, s20;
	s9 =	sadd.s32 s24, s3  }
0xf: {  	s20 =	simm.s32 $0x3380;
	s24 =	simm.s32 $0x7380;
	s19 =	smul.u32 $0x13C00, s6  }
0x10: {  	s5 =	sshrl.u32 s5, $0x3;
	s6 =	smul.u32 $0x18800, s6;
	s10 =	smax.u32 s10, $0x1  }
0x11: {  	s11 =	sadd.s32 $0x20000, s9;
	s12 =	sadd.s32 $0x40000, s9;
	s13 =	sadd.s32 $0x60000, s9  }
0x12: {  	s14 =	sadd.s32 $0x80000, s9;
	s15 =	sadd.s32 $0xA0000, s9;
	s16 =	sadd.s32 $0xC0000, s9  }
0x13: {  	s17 =	sadd.s32 $0xE0000, s9;
	s18 =	sadd.s32 $0x100000, s9;
	s5 =	sadd.s32 s5, s2  }
0x14: {  	s8 =	sor.u32 s7, s19;
	s6 =	sor.u32 s7, s6;
	s7 =	simm.s32 $0x62  }
0x15: {  	s22 =	sadd.s32 $0x1A00, s5;
	s19 =	sadd.s32 s26, s3;
	s26 =	simm.s32 $0x40  }
0x16: {  	s8 =	sshrl.u32 s8, $0x3;
	s6 =	sshrl.u32 s6, $0x3;
	s7 =	simm.s32 @!p0 $0x3B  }
0x17: {  	[dreg:$0x6] =	wrdreg s22;
	p0 =	sgt.u32 s25, $0x9D;
	s0 =	sadd.s32 s0, s6  }
0x18: {  	s22 =	simm.s32 $0x80;
	s2 =	sadd.s32 s8, s2;
	[dreg:$0x5] =	wrdreg s0  }
0x19: {  	s0 =	sadd.s32 s23, s3;
	s8 =	sadd.s32 $0x50A00, s2;
	s23 =	simm.s32 $0x400  }
0x1a: {  	v0 =	vimm.f32 $0.0e+00;
	v1 =	vimm.s32 $0x2778;
	v2 =	vimm.f32 $1.000000000e+00;
	s2 =	simm.s32 $0x0;
	s25 =	sshrl.u32 s0, $0x3;
	s0 =	simm.s32 $0x3280  }
.LBB2_1:
0x1b: {  	s5 =	simm.s32 $0x0  }
.LBB2_2:
0x1c: {  	p1 =	sne.s32 s5, $0x9DC0  }
.Ltmp0:
0x1d: {  	_ = 	snop;
	(pc) =	sbr.rel @p1 .LBB2_2-.Ltmp0, $3  }
0x1e: {  	_ =	sdelay $0x1  }
0x1f: {  	s6 =	sshra.s32 s5, $0x2  }
0x20: {  	s5 =	sadd.s32 $0x40, s5;
	[tilespmem:s6+$0x7380] =	vst v0  }
0x21: {  	s5 =	simm.s32 $0x0;
	s6 =	simm.s32 $0x200  }
.LBB2_4:
0x22: {  	p1 =	sne.s32 s6, $0x7E00;
	[tilespmem:s5+$0x33F0] =	vst v0  }
0x23: {  	[tilespmem:s5+$0x3380] =	vst v0  }
0x24: {  	[tilespmem:s5+$0x3390] =	vst v0  }
.Ltmp1:
0x25: {  	[tilespmem:s5+$0x33A0] =	vst v0;
	(pc) =	sbr.rel @p1 .LBB2_4-.Ltmp1, $4  }
0x26: {  	[tilespmem:s5+$0x33B0] =	vst v0  }
0x27: {  	[tilespmem:s5+$0x33C0] =	vst v0  }
0x28: {  	[tilespmem:s5+$0x33D0] =	vst v0  }
0x29: {  	[tilespmem:s5+$0x33E0] =	vst v0;
	s5 =	sshra.s32 s6, $0x2;
	s6 =	sadd.s32 $0x200, s6  }
0x2a: {  	[tilespmem:s5+$0x33F0] =	vst v0  }
0x2b: {  	[tilespmem:s5+$0x3380] =	vst v0  }
0x2c: {  	[tilespmem:s5+$0x3390] =	vst v0  }
0x2d: {  	[tilespmem:s5+$0x33A0] =	vst v0  }
0x2e: {  	[tilespmem:s5+$0x33B0] =	vst v0  }
0x2f: {  	[tilespmem:s5+$0x33C0] =	vst v0  }
0x30: {  	[tilespmem:s5+$0x33D0] =	vst v0  }
0x31: {  	[tilespmem:s5+$0x33E0] =	vst v0  }
0x32: {  	[spmem:s9] =	stream.linear.scatter [tilespmem:s20], [sflag:$0x2], $0x2000, $0x38;
	[tilespmem:$0x1D700] =	vst v63  }
0x33: {  	_ =	swait.ge [sflag:s21], $0x2000  }
0x34: {  	[sflag:s21] =	ssyncset.done $0x0  }
0x35: {  	[sflag:s21] =	ssyncadd.s32 $0xFFFFE000  }
0x36: {  	[spmem:s11] =	stream.linear.scatter [tilespmem:s20], [sflag:$0x2], $0x2000, $0x38;
	[tilespmem:$0x1D700] =	vst v63  }
0x37: {  	_ =	swait.ge [sflag:s21], $0x2000  }
0x38: {  	[sflag:s21] =	ssyncset.done $0x0  }
0x39: {  	[sflag:s21] =	ssyncadd.s32 $0xFFFFE000  }
0x3a: {  	[spmem:s12] =	stream.linear.scatter [tilespmem:s20], [sflag:$0x2], $0x2000, $0x38;
	[tilespmem:$0x1D700] =	vst v63  }
0x3b: {  	_ =	swait.ge [sflag:s21], $0x2000  }
0x3c: {  	[sflag:s21] =	ssyncset.done $0x0  }
0x3d: {  	[sflag:s21] =	ssyncadd.s32 $0xFFFFE000  }
0x3e: {  	[spmem:s13] =	stream.linear.scatter [tilespmem:s20], [sflag:$0x2], $0x2000, $0x38;
	[tilespmem:$0x1D700] =	vst v63  }
0x3f: {  	_ =	swait.ge [sflag:s21], $0x2000  }
0x40: {  	[sflag:s21] =	ssyncset.done $0x0  }
0x41: {  	[sflag:s21] =	ssyncadd.s32 $0xFFFFE000  }
0x42: {  	[spmem:s14] =	stream.linear.scatter [tilespmem:s20], [sflag:$0x2], $0x2000, $0x38;
	[tilespmem:$0x1D700] =	vst v63  }
0x43: {  	_ =	swait.ge [sflag:s21], $0x2000  }
0x44: {  	[sflag:s21] =	ssyncset.done $0x0  }
0x45: {  	[sflag:s21] =	ssyncadd.s32 $0xFFFFE000  }
0x46: {  	[spmem:s15] =	stream.linear.scatter [tilespmem:s20], [sflag:$0x2], $0x2000, $0x38;
	[tilespmem:$0x1D700] =	vst v63  }
0x47: {  	_ =	swait.ge [sflag:s21], $0x2000  }
0x48: {  	[sflag:s21] =	ssyncset.done $0x0  }
0x49: {  	[sflag:s21] =	ssyncadd.s32 $0xFFFFE000  }
0x4a: {  	[spmem:s16] =	stream.linear.scatter [tilespmem:s20], [sflag:$0x2], $0x2000, $0x38;
	[tilespmem:$0x1D700] =	vst v63  }
0x4b: {  	_ =	swait.ge [sflag:s21], $0x2000  }
0x4c: {  	[sflag:s21] =	ssyncset.done $0x0  }
0x4d: {  	[sflag:s21] =	ssyncadd.s32 $0xFFFFE000  }
0x4e: {  	[spmem:s17] =	stream.linear.scatter [tilespmem:s20], [sflag:$0x2], $0x2000, $0x38;
	[tilespmem:$0x1D700] =	vst v63  }
0x4f: {  	_ =	swait.ge [sflag:s21], $0x2000  }
0x50: {  	[sflag:s21] =	ssyncset.done $0x0  }
0x51: {  	[sflag:s21] =	ssyncadd.s32 $0xFFFFE000  }
0x52: {  	[spmem:s18] =	stream.linear.scatter [tilespmem:s20], [sflag:$0x2], $0x2000, $0x38;
	[tilespmem:$0x1D700] =	vst v63  }
0x53: {  	_ =	swait.ge [sflag:s21], $0x2000  }
0x54: {  	[sflag:s21] =	ssyncset.done $0x0  }
0x55: {  	s5 =	simm.s32 @!p0 $0x3380;
	[sflag:s21] =	ssyncadd.s32 $0xFFFFE000  }
0x56: {  	[spmem:s19] =	stream.linear.scatter @!p0 [tilespmem:s5], [sflag:$0x2], $0x2000, $0x38;
	[tilespmem:$0x1D700] =	vst v63  }
0x57: {  	s5 =	simm.s32 @!p0 $0x2  }
0x58: {  	_ =	swait.ge @!p0 [sflag:s5], $0x2000  }
0x59: {  	[sflag:s5] =	ssyncset.done @!p0 $0x0  }
0x5a: {  	s6 =	rddreg [dreg:$0x5];
	[sflag:s5] =	ssyncadd.s32 @!p0 $0xFFFFE000;
	s5 =	simm.s32 $0x0  }
0x5b: {  	[tilespmem:s5], [sflag:$0x2] =	stream.strided.gather [hbm4b:s6+s22], $0x3100, s23, s22, $0x38;
	[tilespmem:$0x1D700] =	vst v63  }
0x5c: {  	_ =	swait.ge [sflag:s21], $0x3100  }
0x5d: {  	[sflag:s21] =	ssyncset.done $0x0  }
0x5e: {  	[sflag:s21] =	ssyncadd.s32 $0xFFFFCF00  }
0x5f: {  	[tilespmem:$0x3100] =	vst v1  }
0x60: {  	[tilespmem:$0x3110] =	vst v1  }
0x61: {  	[tilespmem:$0x3120] =	vst v1  }
0x62: {  	[tilespmem:$0x3130] =	vst v1  }
0x63: {  	s6 =	simm.s32 $0x40;
	s5 =	smov.u32 s7;
	[bflag:$0x0] =	sbarrier.arrive $0xFFFF  }
.LBB2_6:
0x64: {  	v3 =	vld [tilespmem:s6+$0xFFFFFFC0];
	_ =	sdelay $0x4  }
0x65: {  	v4 =	vand.u32 $0x3FFF, v3;
	_ =	sdelay $0x1  }
0x66: {  	v3 =	vshrl.u32 v3, $0xE  }
0x67: {  	[tilespmem:$0x3180] =	vst v3  }
0x68: {  	[tilespmem:$0x3280] =	vst v4  }
0x69: {  	[tilespmem:v4+s24+$0x0] =	vst.idx.add.f32.msk $0xffff, v2  }
0x6a: {  	v3 =	vld [tilespmem:s6+$0xFFFFFFD0];
	_ =	sdelay $0x4  }
0x6b: {  	v57 =	vand.u32 $0x3FFF, v3;
	_ =	sdelay $0x1  }
0x6c: {  	v3 =	vshrl.u32 v3, $0xE  }
0x6d: {  	[tilespmem:$0x3190] =	vst v3  }
0x6e: {  	[tilespmem:$0x3290] =	vst v57  }
0x6f: {  	[tilespmem:v57+s24+$0x0] =	vst.idx.add.f32.msk $0xffff, v2  }
0x70: {  	v3 =	vld [tilespmem:s6+$0xFFFFFFE0];
	_ =	sdelay $0x4  }
0x71: {  	v58 =	vand.u32 $0x3FFF, v3;
	_ =	sdelay $0x1  }
0x72: {  	v3 =	vshrl.u32 v3, $0xE  }
0x73: {  	[tilespmem:$0x31A0] =	vst v3  }
0x74: {  	[tilespmem:$0x32A0] =	vst v58  }
0x75: {  	[tilespmem:v58+s24+$0x0] =	vst.idx.add.f32.msk $0xffff, v2  }
0x76: {  	v3 =	vld [tilespmem:s6+$0xFFFFFFF0];
	_ =	sdelay $0x4  }
0x77: {  	v59 =	vand.u32 $0x3FFF, v3;
	_ =	sdelay $0x1  }
0x78: {  	v3 =	vshrl.u32 v3, $0xE  }
0x79: {  	[tilespmem:$0x31B0] =	vst v3  }
0x7a: {  	[tilespmem:$0x32B0] =	vst v59  }
0x7b: {  	[tilespmem:v59+s24+$0x0] =	vst.idx.add.f32.msk $0xffff, v2  }
0x7c: {  	[tilespmem:s20], [sflag:$0x1] =	stream.indirect.gather [hbm4b:s1+s26], $0x80, s28, s26, $0xb8;
	[tilespmem:$0x1D700] =	vst v63  }
0x7d: {  	v3 =	vld [tilespmem:s6+$0x0];
	_ =	sdelay $0x4  }
0x7e: {  	v60 =	vand.u32 $0x3FFF, v3;
	_ =	sdelay $0x1  }
0x7f: {  	v3 =	vshrl.u32 v3, $0xE  }
0x80: {  	[tilespmem:$0x3200] =	vst v3  }
0x81: {  	[tilespmem:$0x3300] =	vst v60  }
0x82: {  	[tilespmem:v60+s24+$0x0] =	vst.idx.add.f32.msk $0xffff, v2  }
0x83: {  	v3 =	vld [tilespmem:s6+$0x10];
	_ =	sdelay $0x4  }
0x84: {  	v61 =	vand.u32 $0x3FFF, v3;
	_ =	sdelay $0x1  }
0x85: {  	v3 =	vshrl.u32 v3, $0xE  }
0x86: {  	[tilespmem:$0x3210] =	vst v3  }
0x87: {  	[tilespmem:$0x3310] =	vst v61  }
0x88: {  	[tilespmem:v61+s24+$0x0] =	vst.idx.add.f32.msk $0xffff, v2  }
0x89: {  	v3 =	vld [tilespmem:s6+$0x20];
	_ =	sdelay $0x4  }
0x8a: {  	v62 =	vand.u32 $0x3FFF, v3;
	_ =	sdelay $0x1  }
0x8b: {  	v3 =	vshrl.u32 v3, $0xE  }
0x8c: {  	[tilespmem:$0x3220] =	vst v3  }
0x8d: {  	[tilespmem:$0x3320] =	vst v62  }
0x8e: {  	[tilespmem:v62+s24+$0x0] =	vst.idx.add.f32.msk $0xffff, v2  }
0x8f: {  	v3 =	vld [tilespmem:s6+$0x30];
	_ =	sdelay $0x4  }
0x90: {  	v63 =	vand.u32 $0x3FFF, v3;
	_ =	sdelay $0x1  }
0x91: {  	v3 =	vshrl.u32 v3, $0xE  }
0x92: {  	[tilespmem:$0x3230] =	vst v3  }
0x93: {  	[tilespmem:$0x3330] =	vst v63  }
0x94: {  	[tilespmem:v63+s24+$0x0] =	vst.idx.add.f32.msk $0xffff, v2  }
0x95: {  	[tilespmem:s30], [sflag:$0x1] =	stream.indirect.gather [hbm4b:s1+s26], $0x80, s29, s26, $0xb8;
	[tilespmem:$0x1D700] =	vst v63  }
0x96: {  	_ =	swait.ge [sflag:s31], $0x2000  }
0x97: {  	[sflag:s31] =	ssyncset.done $0x0  }
0x98: {  	[sflag:s31] =	ssyncadd.s32 $0xFFFFE000  }
0x99: {  	[spmem:s3] =	stream.indirect.scatter.add.f32 [tilespmem:s20], [sflag:$0x2], $0x80, s0, s26, $0xb8;
	[tilespmem:$0x1D700] =	vst v63  }
0x9a: {  	_ =	swait.ge [sflag:s21], $0x2000  }
0x9b: {  	[sflag:s21] =	ssyncset.done $0x0  }
0x9c: {  	[sflag:s21] =	ssyncadd.s32 $0xFFFFE000  }
0x9d: {  	_ =	swait.ge [sflag:s31], $0x2000  }
0x9e: {  	p1 =	sne.s32 s5, $0x1;
	[sflag:s31] =	ssyncset.done $0x0  }
.Ltmp2:
0x9f: {  	[sflag:s31] =	ssyncadd.s32 $0xFFFFE000;
	(pc) =	sbr.rel @p1 .LBB2_6-.Ltmp2, $4  }
0xa0: {  	[spmem:s3] =	stream.indirect.scatter.add.f32 [tilespmem:s30], [sflag:$0x2], $0x80, s4, s26, $0xb8;
	[tilespmem:$0x1D700] =	vst v63  }
0xa1: {  	_ =	swait.ge [sflag:s21], $0x2000  }
0xa2: {  	[sflag:s21] =	ssyncset.done $0x0  }
0xa3: {  	s5 =	sadd.s32 $0xFFFFFFFF, s5;
	s6 =	sadd.s32 $0x80, s6;
	[sflag:s21] =	ssyncadd.s32 $0xFFFFE000  }
0xa4: {  	s5 =	stileid.u32  }
0xa5: {  	[bflag:$0x0] =	sbarrier.arrive $0xFFFF;
	s5 =	sshll.u32 s5, $0x6  }
0xa6: {  	s6 =	rddreg [dreg:$0x6];
	s5 =	sor.u32 $0x1C02, s5  }
0xa7: {  	[hbm:s6], [sflag:s5] =	dma.local [spmem:s25], $0x2780  }
0xa8: {  	s2 =	sadd.s32 $0x1, s2;
	_ =	swait.ge [sflag:s21], $0x2780  }
0xa9: {  	p1 =	sne.s32 s2, s10;
	[sflag:s21] =	ssyncset.done $0x0  }
.Ltmp3:
0xaa: {  	[sflag:s21] =	ssyncadd.s32 $0xFFFFD880;
	(pc) =	sbr.rel @p1 .LBB2_1-.Ltmp3, $4  }
0xab: {  	[hbm4b:s8+s22] =	stream.strided.scatter [tilespmem:s24], [sflag:$0x2], $0x2780, s23, s22, $0x38;
	[tilespmem:$0x1D700] =	vst v63  }
0xac: {  	_ =	swait.ge [sflag:s21], $0x2780  }
0xad: {  	[sflag:s21] =	ssyncset.done $0x0  }
0xae: {  	[sflag:s21] =	ssyncadd.s32 $0xFFFFD880  }
0xaf: {  	_ =	sfence.sel $0x180000  }
0xb0: {  	[bflag:$0x0] =	sbarrier.arrive $0xFFFF  }
0xb1: {  	_ =	strace $0x90000047  }
0xb2: {  	s0 =	stileid.u32;
	[bflag:$0x2] =	sbarrier.arrive $0xFFFF  }
0xb3: {  	p0 =	sne.s32 s0, $0x0;
	s0 =	rddreg [dreg:$0x4]  }
0xb4: {  	s0 =	sadd.s32 @!p0 $0x100000, s0  }
0xb5: {  	[sflag:s0] =	ssyncadd.tile.s32 @!p0 $0x1;
	_ =	shalt  }
.Lfunc_end2:
_tile_overlayer_lowered:
.L_overlay_start_2:
0xb6: {  	(tag) =	ssettag $0x2  }
0xb7: {  	s0 =	rddreg [dreg:$0x0];
	s2 =	stileid.u32  }
0xb8: {  	s1 =	rddreg [dreg:$0x1];
	p0 =	sne.s32 s2, $0x0  }
0xb9: {  	s3 =	rddreg [dreg:$0x2];
	[bflag:$0x3] =	sbarrier.arrive $0xFFFF;
	s2 =	simm.s32 @!p0 $0x1C02  }
0xba: {  	[timem:s3], [sflag:s2] =	dma.local @!p0 [hbm:s0], s1  }
0xbb: {  	s0 =	simm.s32 @!p0 $0x2  }
0xbc: {  	_ =	swait.ge @!p0 [sflag:s0], s1  }
0xbd: {  	s1 =	ssub.s32 @!p0 $0x0, s1;
	[sflag:s0] =	ssyncset.done @!p0 $0x0  }
0xbe: {  	[sflag:s0] =	ssyncadd.s32 @!p0 s1  }
0xbf: {  	[bflag:$0x3] =	sbarrier.arrive $0xFFFF  }
0xc0: {  	_ =	shalt  }

</sc_bundles>
